<compile_context>
chip_gen: v7x
topology: tpu7x:2x2x1
jax: 0.10.2.dev20260603
libtpu: 0.0.44.dev20260713+nightly
codegen_flags: <defaults>
</compile_context>

<pallas_src>
import functools

import jax
import jax.numpy as jnp
from jax import lax
from jax.experimental import pallas as pl
from jax.experimental.pallas import tpu as pltpu
from jax.experimental.pallas import tpu_sc as plsc

WIDTH = 1242
HEIGHT = 375
ROT_W = 1.0
TRANS_W = 2.0
DEPTH_W = 1.0
PC_W = 0.5

_SENT = 1 << 20

_NCOL = 312
_NQ = 4
_NPAD = 102400
_CHUNK = 2048
_NSLOT = 2
_UNROLL = 4


def _tc1_body(pc_ref, md_ref, pt_ref, gtt_ref, pr_ref, gtr_ref,
              lin_ref, z_ref, misc_ref):
    i = pl.program_id(0)
    pc = pc_ref[0]
    f = lax.dot_general(md_ref[0], pc, (((1,), (0,)), ((), ())),
                        precision=jax.lax.Precision.HIGHEST)
    esq = f[3:8, :] * f[3:8, :]
    ones = jnp.ones((1, 5), jnp.float32)
    err2 = lax.dot_general(ones, esq, (((1,), (0,)), ((), ())),
                           precision=jax.lax.Precision.HIGHEST)
    err = jnp.sqrt(err2)
    pc_sum = jnp.sum(err) * (1.0 / pc_ref.shape[2])

    px = f[0:1, :]
    py = f[1:2, :]
    pz = f[2:3, :]
    xi = jnp.clip(px / pz, 0.0, WIDTH - 1).astype(jnp.int32)
    yi = jnp.clip(py / pz, 0.0, HEIGHT - 1).astype(jnp.int32)
    lin = jnp.where(pz > 0, xi * 512 + yi, _SENT)
    npad = lin_ref.shape[0] - lin.shape[1]
    lin_p = jnp.concatenate(
        [lin, jnp.full((1, npad), _SENT, jnp.int32)], axis=1)
    z_p = jnp.concatenate(
        [pz, jnp.zeros((1, npad), jnp.float32)], axis=1)
    lin_ref[...] = lin_p[0]
    z_ref[...] = z_p[0]

    tdx = pt_ref[i, 0] - gtt_ref[i, 0]
    tdy = pt_ref[i, 1] - gtt_ref[i, 1]
    tdz = pt_ref[i, 2] - gtt_ref[i, 2]
    rdx = pr_ref[i, 0] - gtr_ref[i, 0]
    rdy = pr_ref[i, 1] - gtr_ref[i, 1]
    rdz = pr_ref[i, 2] - gtr_ref[i, 2]
    tl_i = (TRANS_W * (tdx * tdx + tdy * tdy + tdz * tdz)
            + ROT_W * (rdx * rdx + rdy * rdy + rdz * rdz))
    lane = lax.broadcasted_iota(jnp.int32, (1, 128), 1)
    misc_ref[0] = jnp.where(lane == 0, pc_sum,
                            jnp.where(lane == 1, tl_i, 0.0))


_STRIPE = 3 * _NCOL * 128


def _sc_body(lin_hbm, z_hbm, out_hbm, local, lbuf, zbuf, sems):
    n = lin_hbm.shape[0] // 8
    wid = lax.axis_index("s") * 2 + lax.axis_index("c")
    s = wid // _NQ
    q = wid % _NQ
    cbase = q * _NCOL
    nchunks = n // _CHUNK

    base_pt = s * n

    def start(c, slot):
        off = base_pt + c * _CHUNK
        pltpu.async_copy(lin_hbm.at[pl.ds(off, _CHUNK)],
                         lbuf.at[pl.ds(slot * _CHUNK, _CHUNK)],
                         sems.at[slot])
        pltpu.async_copy(z_hbm.at[pl.ds(off, _CHUNK)],
                         zbuf.at[pl.ds(slot * _CHUNK, _CHUNK)],
                         sems.at[slot])

    def wait(c, slot):
        off = base_pt + c * _CHUNK
        pltpu.make_async_copy(lin_hbm.at[pl.ds(off, _CHUNK)],
                              lbuf.at[pl.ds(slot * _CHUNK, _CHUNK)],
                              sems.at[slot]).wait()
        pltpu.make_async_copy(z_hbm.at[pl.ds(off, _CHUNK)],
                              zbuf.at[pl.ds(slot * _CHUNK, _CHUNK)],
                              sems.at[slot]).wait()

    for cp in range(_NSLOT - 1):
        start(cp, cp)

    z16 = jnp.zeros((16,), jnp.float32)

    def zfill(g, carry):
        for u in range(8):
            local[pl.ds((g * 8 + u) * 16, 16)] = z16
        return carry

    lax.fori_loop(0, _STRIPE // 128, zfill, 0)

    def chunk_body(c, carry):
        slot = jnp.bitwise_and(c, _NSLOT - 1)
        wait(c, slot)

        @pl.when(c + _NSLOT - 1 < nchunks)
        def _():
            start(c + _NSLOT - 1,
                  jnp.bitwise_and(c + _NSLOT - 1, _NSLOT - 1))

        def grp(g, carry2):
            for u in range(_UNROLL):
                g16 = slot * _CHUNK + (g * _UNROLL + u) * 16
                iv = lbuf[pl.ds(g16, 16)]
                zv = zbuf[pl.ds(g16, 16)]
                x = lax.shift_right_logical(iv, 9)
                y = jnp.bitwise_and(iv, 511)
                xr = x - cbase
                m = (xr >= 0) & (xr < _NCOL)
                row = lax.shift_right_logical(y, 7) * _NCOL + xr
                idx = row * 128 + jnp.bitwise_and(y, 127)
                plsc.store_scatter(local, [idx], zv, mask=m)
            return carry2

        return lax.fori_loop(0, _CHUNK // 16 // _UNROLL, grp, carry)

    lax.fori_loop(0, nchunks, chunk_body, 0)

    pltpu.sync_copy(local, out_hbm.at[pl.ds((q * 8 + s) * _STRIPE, _STRIPE)])


def _tc2_body(pred_ref, gt_ref, misc_ref, out_ref, acc_ref):
    i = pl.program_id(0)
    nb = pl.num_programs(0)
    cn_sum = jnp.float32(0.0)
    for qq in range(_NQ):
        w = min(_NCOL, WIDTH - qq * _NCOL)
        csq = jnp.zeros((w,), jnp.float32)
        for cc in range(3):
            hc = min(128, HEIGHT - cc * 128)
            blk = pred_ref[qq, cc * _NCOL:(cc + 1) * _NCOL, :]
            bt = jnp.swapaxes(blk, 0, 1)
            gq = gt_ref[0, cc * 128:cc * 128 + hc,
                        qq * _NCOL:qq * _NCOL + w]
            dq = bt[0:hc, 0:w] - gq
            csq = csq + jnp.sum(dq * dq, axis=0)
        cn_sum = cn_sum + jnp.sum(jnp.sqrt(csq))
    depth_i = cn_sum * (1.0 / WIDTH)

    @pl.when(i == 0)
    def _():
        acc_ref[0] = 0.0
        acc_ref[1] = 0.0
        acc_ref[2] = 0.0

    acc_ref[0] = acc_ref[0] + misc_ref[i, 0, 1]
    acc_ref[1] = acc_ref[1] + depth_i
    acc_ref[2] = acc_ref[2] + misc_ref[i, 0, 0]

    @pl.when(i == nb - 1)
    def _():
        inv_b = 1.0 / nb
        tl = acc_ref[0] * inv_b
        depth = acc_ref[1] * inv_b
        pc = acc_ref[2] * inv_b
        total = (1.0 - PC_W) * tl + DEPTH_W * depth + PC_W * pc
        lane = lax.broadcasted_iota(jnp.int32, (1, 4), 1)
        out_ref[...] = jnp.where(
            lane == 0, total,
            jnp.where(lane == 1, tl, jnp.where(lane == 2, depth, pc)))


def kernel(point_clouds, gt_translation_vector, gt_rotation_vector,
           predicted_translation_vector, predicted_rotation_vector,
           gt_rt_matrix, k_matrix, gt_depth_map):
    b, _, n, _ = point_clouds.shape

    rv = predicted_rotation_vector
    theta2 = jnp.sum(rv * rv, axis=1)
    theta = jnp.sqrt(theta2)
    a_c = jnp.sin(theta) / theta
    b_c = (1.0 - jnp.cos(theta)) / theta2
    wx, wy, wz = rv[:, 0], rv[:, 1], rv[:, 2]
    zc = jnp.zeros_like(wx)
    omega = jnp.stack([
        jnp.stack([zc, -wz, wy], axis=1),
        jnp.stack([wz, zc, -wx], axis=1),
        jnp.stack([-wy, wx, zc], axis=1),
    ], axis=1)
    omega2 = jnp.einsum("bij,bjk->bik", omega, omega,
                        precision=jax.lax.Precision.HIGHEST)
    r_mat = (jnp.eye(3, dtype=jnp.float32)[None]
             + a_c[:, None, None] * omega
             + b_c[:, None, None] * omega2)
    rt = jnp.concatenate([
        jnp.concatenate(
            [r_mat, predicted_translation_vector[:, :, None]], axis=2),
        jnp.broadcast_to(
            jnp.array([[[0.0, 0.0, 0.0, 1.0]]], dtype=jnp.float32),
            (b, 1, 4)),
    ], axis=1)
    m_mat = jnp.einsum("rc,bcd->brd", k_matrix, rt[:, :3, :],
                       precision=jax.lax.Precision.HIGHEST)
    d_mat = rt - gt_rt_matrix
    md_mat = jnp.concatenate(
        [m_mat, d_mat, jnp.zeros((b, 1, 4), jnp.float32)], axis=1)

    pc_t = jnp.swapaxes(point_clouds[:, 0], 1, 2)

    smem = pl.BlockSpec(memory_space=pltpu.SMEM)
    lin, zval, misc = pl.pallas_call(
        _tc1_body,
        grid=(b,),
        in_specs=[
            pl.BlockSpec((1, 4, n), lambda i: (i, 0, 0)),
            pl.BlockSpec((1, 8, 4), lambda i: (i, 0, 0)),
            smem, smem, smem, smem,
        ],
        out_specs=[
            pl.BlockSpec((_NPAD,), lambda i: (i,)),
            pl.BlockSpec((_NPAD,), lambda i: (i,)),
            pl.BlockSpec((1, 1, 128), lambda i: (i, 0, 0)),
        ],
        out_shape=[
            jax.ShapeDtypeStruct((b * _NPAD,), jnp.int32),
            jax.ShapeDtypeStruct((b * _NPAD,), jnp.float32),
            jax.ShapeDtypeStruct((b, 1, 128), jnp.float32),
        ],
    )(pc_t, md_mat, predicted_translation_vector,
      gt_translation_vector, predicted_rotation_vector,
      gt_rotation_vector)

    mesh = plsc.VectorSubcoreMesh(core_axis_name="c", subcore_axis_name="s")
    sc_scatter = functools.partial(
        pl.kernel, mesh=mesh,
        compiler_params=pltpu.CompilerParams(needs_layout_passes=False),
        out_type=jax.ShapeDtypeStruct((_NQ * b * _STRIPE,), jnp.float32),
        scratch_types=[
            pltpu.VMEM((_STRIPE,), jnp.float32),
            pltpu.VMEM((_NSLOT * _CHUNK,), jnp.int32),
            pltpu.VMEM((_NSLOT * _CHUNK,), jnp.float32),
            pltpu.SemaphoreType.DMA((_NSLOT,)),
        ],
    )(_sc_body)
    stripes = sc_scatter(lin, zval)

    out = pl.pallas_call(
        _tc2_body,
        grid=(b,),
        in_specs=[
            pl.BlockSpec((_NQ, None, 3 * _NCOL, 128), lambda i: (0, i, 0, 0)),
            pl.BlockSpec((1, HEIGHT, WIDTH), lambda i: (i, 0, 0)),
            smem,
        ],
        out_specs=pl.BlockSpec((1, 4), lambda i: (0, 0)),
        out_shape=jax.ShapeDtypeStruct((1, 4), jnp.float32),
        scratch_shapes=[pltpu.SMEM((4,), jnp.float32)],
    )(stripes.reshape(_NQ, b, 3 * _NCOL, 128),
      gt_depth_map.reshape(b, HEIGHT, WIDTH), misc)
    return out.reshape(4)

# --- scband reference (transcript-rebuilt; emitter-appended) ---
"""Pipeline reference for scband-total-loss-15607911154195 (READ-ONLY COPY).

The authoritative reference and input builder live on the scoring server;
editing this copy changes nothing except your own understanding.
"""

import jax, jax.numpy as jnp
import numpy as np

WIDTH = 1242
HEIGHT = 375
ROT_W = 1.0
TRANS_W = 2.0
DEPTH_W = 1.0
PC_W = 0.5


def setup_inputs(seed: int = 0) -> dict:
    key = jax.random.key(seed)
    ks = jax.random.split(key, 8)
    B, N = 8, 100000
    return {
        "point_clouds": jax.random.normal(ks[0], (B, 1, N, 4), dtype=jnp.float32),
        "gt_translation_vector": jax.random.normal(ks[1], (B, 3), dtype=jnp.float32),
        "gt_rotation_vector": jax.random.normal(ks[2], (B, 3), dtype=jnp.float32),
        "predicted_translation_vector": jax.random.normal(ks[3], (B, 3), dtype=jnp.float32),
        "predicted_rotation_vector": jax.random.normal(ks[4], (B, 3), dtype=jnp.float32),
        "gt_rt_matrix": jax.random.normal(ks[5], (B, 4, 4), dtype=jnp.float32),
        "k_matrix": jax.random.normal(ks[6], (3, 3), dtype=jnp.float32),
        "gt_depth_map": jax.random.uniform(ks[7], (B, 1, HEIGHT, WIDTH), dtype=jnp.float32),
    }


def _forward(point_clouds, gt_t, gt_r, pred_t, pred_r, gt_rt, K, gt_depth):
    loss_translation = jnp.mean(jnp.sum((pred_t - gt_t) ** 2, axis=1))
    loss_rotation = jnp.mean(jnp.sum((pred_r - gt_r) ** 2, axis=1))
    transformation_loss = loss_translation * TRANS_W + loss_rotation * ROT_W
    B = point_clouds.shape[0]
    depth_map_loss = jnp.zeros((), dtype=jnp.float32)
    pc_loss = jnp.zeros((), dtype=jnp.float32)
    for i in range(B):
        pc = point_clouds[i, 0]  # [N, 4]
        pc_gt = gt_rt[i] @ pc.T  # [4, N]
        rv = pred_r[i]
        theta = jnp.sqrt(rv[0] ** 2 + rv[1] ** 2 + rv[2] ** 2)
        # torch.tensor(...) in the original detaches omega_cross / T from autograd
        rvd = jax.lax.stop_gradient(rv)
        z = jnp.zeros(())
        omega = jnp.stack([
            jnp.stack([z, -rvd[2], rvd[1]]),
            jnp.stack([rvd[2], z, -rvd[0]]),
            jnp.stack([-rvd[1], rvd[0], z]),
        ])
        A = jnp.sin(theta) / theta
        Bc = (1.0 - jnp.cos(theta)) / theta ** 2
        R = jnp.eye(3, dtype=jnp.float32) + A * omega + Bc * (omega @ omega)
        T = jax.lax.stop_gradient(pred_t[i]).reshape(3, 1)
        bottom = jnp.array([[0.0, 0.0, 0.0, 1.0]], dtype=jnp.float32)
        rt = jnp.vstack([jnp.hstack([R, T]), bottom])  # [4, 4]
        pc_pred = rt @ pc.T  # [4, N]
        err = jnp.linalg.norm(pc_pred - pc_gt, axis=0)
        pc_loss = pc_loss + jnp.mean(err)
        p2d = K @ pc_pred[:-1, :]  # [3, N]
        Z = p2d[2, :]
        x = jnp.clip(p2d[0, :] / Z, 0.0, WIDTH - 1).astype(jnp.int32)
        y = jnp.clip(p2d[1, :] / Z, 0.0, HEIGHT - 1).astype(jnp.int32)
        valid = Z > 0
        y_idx = jnp.where(valid, y, HEIGHT)  # out-of-bounds rows are dropped
        pred_depth = jnp.zeros((HEIGHT, WIDTH), dtype=jnp.float32)
        pred_depth = pred_depth.at[y_idx, x].set(Z, mode="drop")
        depth_err = jnp.linalg.norm(pred_depth - gt_depth[i, 0], axis=0)
        depth_map_loss = depth_map_loss + jnp.mean(depth_err)
    total = (1.0 - PC_W) * transformation_loss + DEPTH_W * (depth_map_loss / B) + PC_W * (pc_loss / B)
    return jnp.stack([total, transformation_loss, depth_map_loss / B, pc_loss / B])


def reference(point_clouds, gt_translation_vector, gt_rotation_vector, predicted_translation_vector, predicted_rotation_vector, gt_rt_matrix, k_matrix, gt_depth_map):
    return _forward(point_clouds, gt_translation_vector, gt_rotation_vector, predicted_translation_vector, predicted_rotation_vector, gt_rt_matrix, k_matrix, gt_depth_map)

if __name__ == "__main__":
    import jax
    _d = setup_inputs()
    print(jax.jit(kernel)(*tuple(_d.values())))

</pallas_src>

<mosaic_0001>
#map = affine_map<(d0, d1) -> (0)>
module attributes {stable_mosaic.version = 14 : i64} {
  func.func @_sc_body(%arg0: i32, %arg1: i32, %arg2: memref<819200xi32, #tpu.memory_space<hbm>>, %arg3: memref<819200xf32, #tpu.memory_space<hbm>>, %arg4: memref<3833856xf32, #tpu.memory_space<hbm>>, %arg5: memref<119808xf32, #tpu.memory_space<vmem>>, %arg6: memref<4096xi32, #tpu.memory_space<vmem>>, %arg7: memref<4096xf32, #tpu.memory_space<vmem>>, %arg8: memref<2x!tpu.dma_semaphore, #tpu.memory_space<semaphore_mem>>) attributes {dimension_semantics = [#tpu.dimension_semantics<core_parallel>, #tpu.dimension_semantics<subcore_parallel>], iteration_bounds = array<i64: 2, 16>, scalar_prefetch = 0 : i64, scratch_operands = 4 : i64, tpu.core_type = #tpu.core_type<sc_vector_subcore>, window_params = [{transform_indices = #map}, {transform_indices = #map}, {transform_indices = #map}]} {
    %mul3A = arith.constant 2 : i32
    %mul3A_0 = arith.muli %arg1, %mul3A : i32
    %add3A = arith.addi %mul3A_0, %arg0 : i32
    %jit3A = arith.constant 4 : i32
    %div3A = arith.divsi %add3A, %jit3A : i32
    %sign3A = arith.constant 0 : i32
    %sign3A_1 = arith.cmpi sgt, %add3A, %sign3A : i32
    %sign3A_2 = arith.extui %sign3A_1 : i1 to i32
    %sign3A_3 = arith.constant 0 : i32
    %sign3A_4 = arith.cmpi slt, %add3A, %sign3A_3 : i32
    %sign3A_5 = arith.extui %sign3A_4 : i1 to i32
    %sign3A_6 = arith.subi %sign3A_2, %sign3A_5 : i32
    %sign3A_7 = arith.constant 0 : i32
    %sign3A_8 = arith.cmpi sgt, %jit3A, %sign3A_7 : i32
    %sign3A_9 = arith.extui %sign3A_8 : i1 to i32
    %sign3A_10 = arith.constant 0 : i32
    %sign3A_11 = arith.cmpi slt, %jit3A, %sign3A_10 : i32
    %sign3A_12 = arith.extui %sign3A_11 : i1 to i32
    %sign3A_13 = arith.subi %sign3A_9, %sign3A_12 : i32
    %ne3A = arith.cmpi ne, %sign3A_6, %sign3A_13 : i32
    %rem3A = arith.remsi %add3A, %jit3A : i32
    %ne3A_14 = arith.constant 0 : i32
    %ne3A_15 = arith.cmpi ne, %rem3A, %ne3A_14 : i32
    %and3A = arith.andi %ne3A, %ne3A_15 : i1
    %sub3A = arith.constant 1 : i32
    %sub3A_16 = arith.subi %div3A, %sub3A : i32
    %select_n3A = arith.select %and3A, %sub3A_16, %div3A : i32
    %jit3A_17 = arith.constant 4 : i32
    %eq3A = arith.constant 0 : i32
    %eq3A_18 = arith.cmpi eq, %jit3A_17, %eq3A : i32
    %jit3A_19 = arith.constant 1 : i32
    %select_n3A_20 = arith.select %eq3A_18, %jit3A_19, %jit3A_17 : i32
    %rem3A_21 = arith.remsi %add3A, %select_n3A_20 : i32
    %ne3A_22 = arith.constant 0 : i32
    %ne3A_23 = arith.cmpi ne, %rem3A_21, %ne3A_22 : i32
    %lt3A = arith.constant 0 : i32
    %lt3A_24 = arith.cmpi slt, %rem3A_21, %lt3A : i32
    %lt3A_25 = arith.constant 0 : i32
    %lt3A_26 = arith.cmpi slt, %select_n3A_20, %lt3A_25 : i32
    %ne3A_27 = arith.xori %lt3A_24, %lt3A_26 : i1
    %and3A_28 = arith.andi %ne3A_27, %ne3A_23 : i1
    %add3A_29 = arith.addi %rem3A_21, %select_n3A_20 : i32
    %select_n3A_30 = arith.select %and3A_28, %add3A_29, %rem3A_21 : i32
    %mul3A_31 = arith.constant 312 : i32
    %mul3A_32 = arith.muli %select_n3A_30, %mul3A_31 : i32
    %mul3A_33 = arith.constant 102400 : i32
    %mul3A_34 = arith.muli %select_n3A, %mul3A_33 : i32
    %add3A_35 = arith.constant 0 : i32
    %add3A_36 = arith.addi %mul3A_34, %add3A_35 : i32
    %dma_start3A = arith.constant 0 : i32
    %dma_start3A_37 = arith.constant 0 : i32
    %dma_start3A_38 = tpu.memref_slice %arg6[%dma_start3A_37] : memref<4096xi32, #tpu.memory_space<vmem>> -> memref<2048xi32, #tpu.memory_space<vmem>>
    %dma_start3A_39 = tpu.memref_slice %arg2[%add3A_36] : memref<819200xi32, #tpu.memory_space<hbm>> -> memref<2048xi32, #tpu.memory_space<hbm>>
    %dma_start3A_40 = tpu.memref_slice %arg8[%dma_start3A] : memref<2x!tpu.dma_semaphore, #tpu.memory_space<semaphore_mem>> -> memref<1x!tpu.dma_semaphore, #tpu.memory_space<semaphore_mem>>
    %dma_start3A_41 = tpu.memref_squeeze %dma_start3A_40 : memref<1x!tpu.dma_semaphore, #tpu.memory_space<semaphore_mem>> -> memref<!tpu.dma_semaphore, #tpu.memory_space<semaphore_mem>>
    %dma_start3A_42 = arith.constant 0 : i32
    %dma_start3A_43 = tpu.memref_slice %arg6[%dma_start3A_42] : memref<4096xi32, #tpu.memory_space<vmem>> -> memref<2048xi32, #tpu.memory_space<vmem>>
    %dma_start3A_44 = tpu.memref_slice %arg2[%add3A_36] : memref<819200xi32, #tpu.memory_space<hbm>> -> memref<2048xi32, #tpu.memory_space<hbm>>
    tpu.enqueue_dma source(%dma_start3A_44 : memref<2048xi32, #tpu.memory_space<hbm>>) target(%dma_start3A_43 : memref<2048xi32, #tpu.memory_space<vmem>>) target_semaphore(%dma_start3A_41 : memref<!tpu.dma_semaphore, #tpu.memory_space<semaphore_mem>>)
    %dma_start3A_45 = arith.constant 0 : i32
    %dma_start3A_46 = arith.constant 0 : i32
    %dma_start3A_47 = tpu.memref_slice %arg7[%dma_start3A_46] : memref<4096xf32, #tpu.memory_space<vmem>> -> memref<2048xf32, #tpu.memory_space<vmem>>
    %dma_start3A_48 = tpu.memref_slice %arg3[%add3A_36] : memref<819200xf32, #tpu.memory_space<hbm>> -> memref<2048xf32, #tpu.memory_space<hbm>>
    %dma_start3A_49 = tpu.memref_slice %arg8[%dma_start3A_45] : memref<2x!tpu.dma_semaphore, #tpu.memory_space<semaphore_mem>> -> memref<1x!tpu.dma_semaphore, #tpu.memory_space<semaphore_mem>>
    %dma_start3A_50 = tpu.memref_squeeze %dma_start3A_49 : memref<1x!tpu.dma_semaphore, #tpu.memory_space<semaphore_mem>> -> memref<!tpu.dma_semaphore, #tpu.memory_space<semaphore_mem>>
    %dma_start3A_51 = arith.constant 0 : i32
    %dma_start3A_52 = tpu.memref_slice %arg7[%dma_start3A_51] : memref<4096xf32, #tpu.memory_space<vmem>> -> memref<2048xf32, #tpu.memory_space<vmem>>
    %dma_start3A_53 = tpu.memref_slice %arg3[%add3A_36] : memref<819200xf32, #tpu.memory_space<hbm>> -> memref<2048xf32, #tpu.memory_space<hbm>>
    tpu.enqueue_dma source(%dma_start3A_53 : memref<2048xf32, #tpu.memory_space<hbm>>) target(%dma_start3A_52 : memref<2048xf32, #tpu.memory_space<vmem>>) target_semaphore(%dma_start3A_50 : memref<!tpu.dma_semaphore, #tpu.memory_space<semaphore_mem>>)
    %broadcast_in_dim3A = arith.constant 0.000000e+00 : f32
    %broadcast_in_dim3A_54 = vector.broadcast %broadcast_in_dim3A : f32 to vector<16xf32>
    %scan3A = arith.constant 0 : i32
    %scan3A_55 = arith.constant 0 : i32
    %scan3A_56 = arith.constant 936 : i32
    %scan3A_57 = arith.addi %scan3A_55, %scan3A_56 : i32
    %scan3A_58 = arith.constant 1 : i32
    scf.for %scan3A_71 = %scan3A_55 to %scan3A_57 step %scan3A_58  : i32 {
      %mul3A_72 = arith.constant 8 : i32
      %mul3A_73 = arith.muli %scan3A_71, %mul3A_72 : i32
      %add3A_74 = arith.constant 0 : i32
      %add3A_75 = arith.addi %mul3A_73, %add3A_74 : i32
      %mul3A_76 = arith.constant 16 : i32
      %mul3A_77 = arith.muli %add3A_75, %mul3A_76 : i32
      %swap3A = arith.index_cast %mul3A_77 : i32 to index
      %swap3A_78 = tpu.vector_load %arg5[%swap3A] {strides = array<i32>} : memref<119808xf32, #tpu.memory_space<vmem>>, vector<16xf32>,
      tpu.vector_store %arg5[%swap3A], %broadcast_in_dim3A_54 {strides = array<i32>} : memref<119808xf32, #tpu.memory_space<vmem>>, vector<16xf32>,
      %mul3A_79 = arith.constant 8 : i32
      %mul3A_80 = arith.muli %scan3A_71, %mul3A_79 : i32
      %add3A_81 = arith.constant 1 : i32
      %add3A_82 = arith.addi %mul3A_80, %add3A_81 : i32
      %mul3A_83 = arith.constant 16 : i32
      %mul3A_84 = arith.muli %add3A_82, %mul3A_83 : i32
      %swap3A_85 = arith.index_cast %mul3A_84 : i32 to index
      %swap3A_86 = tpu.vector_load %arg5[%swap3A_85] {strides = array<i32>} : memref<119808xf32, #tpu.memory_space<vmem>>, vector<16xf32>,
      tpu.vector_store %arg5[%swap3A_85], %broadcast_in_dim3A_54 {strides = array<i32>} : memref<119808xf32, #tpu.memory_space<vmem>>, vector<16xf32>,
      %mul3A_87 = arith.constant 8 : i32
      %mul3A_88 = arith.muli %scan3A_71, %mul3A_87 : i32
      %add3A_89 = arith.constant 2 : i32
      %add3A_90 = arith.addi %mul3A_88, %add3A_89 : i32
      %mul3A_91 = arith.constant 16 : i32
      %mul3A_92 = arith.muli %add3A_90, %mul3A_91 : i32
      %swap3A_93 = arith.index_cast %mul3A_92 : i32 to index
      %swap3A_94 = tpu.vector_load %arg5[%swap3A_93] {strides = array<i32>} : memref<119808xf32, #tpu.memory_space<vmem>>, vector<16xf32>,
      tpu.vector_store %arg5[%swap3A_93], %broadcast_in_dim3A_54 {strides = array<i32>} : memref<119808xf32, #tpu.memory_space<vmem>>, vector<16xf32>,
      %mul3A_95 = arith.constant 8 : i32
      %mul3A_96 = arith.muli %scan3A_71, %mul3A_95 : i32
      %add3A_97 = arith.constant 3 : i32
      %add3A_98 = arith.addi %mul3A_96, %add3A_97 : i32
      %mul3A_99 = arith.constant 16 : i32
      %mul3A_100 = arith.muli %add3A_98, %mul3A_99 : i32
      %swap3A_101 = arith.index_cast %mul3A_100 : i32 to index
      %swap3A_102 = tpu.vector_load %arg5[%swap3A_101] {strides = array<i32>} : memref<119808xf32, #tpu.memory_space<vmem>>, vector<16xf32>,
      tpu.vector_store %arg5[%swap3A_101], %broadcast_in_dim3A_54 {strides = array<i32>} : memref<119808xf32, #tpu.memory_space<vmem>>, vector<16xf32>,
      %mul3A_103 = arith.constant 8 : i32
      %mul3A_104 = arith.muli %scan3A_71, %mul3A_103 : i32
      %add3A_105 = arith.constant 4 : i32
      %add3A_106 = arith.addi %mul3A_104, %add3A_105 : i32
      %mul3A_107 = arith.constant 16 : i32
      %mul3A_108 = arith.muli %add3A_106, %mul3A_107 : i32
      %swap3A_109 = arith.index_cast %mul3A_108 : i32 to index
      %swap3A_110 = tpu.vector_load %arg5[%swap3A_109] {strides = array<i32>} : memref<119808xf32, #tpu.memory_space<vmem>>, vector<16xf32>,
      tpu.vector_store %arg5[%swap3A_109], %broadcast_in_dim3A_54 {strides = array<i32>} : memref<119808xf32, #tpu.memory_space<vmem>>, vector<16xf32>,
      %mul3A_111 = arith.constant 8 : i32
      %mul3A_112 = arith.muli %scan3A_71, %mul3A_111 : i32
      %add3A_113 = arith.constant 5 : i32
      %add3A_114 = arith.addi %mul3A_112, %add3A_113 : i32
      %mul3A_115 = arith.constant 16 : i32
      %mul3A_116 = arith.muli %add3A_114, %mul3A_115 : i32
      %swap3A_117 = arith.index_cast %mul3A_116 : i32 to index
      %swap3A_118 = tpu.vector_load %arg5[%swap3A_117] {strides = array<i32>} : memref<119808xf32, #tpu.memory_space<vmem>>, vector<16xf32>,
      tpu.vector_store %arg5[%swap3A_117], %broadcast_in_dim3A_54 {strides = array<i32>} : memref<119808xf32, #tpu.memory_space<vmem>>, vector<16xf32>,
      %mul3A_119 = arith.constant 8 : i32
      %mul3A_120 = arith.muli %scan3A_71, %mul3A_119 : i32
      %add3A_121 = arith.constant 6 : i32
      %add3A_122 = arith.addi %mul3A_120, %add3A_121 : i32
      %mul3A_123 = arith.constant 16 : i32
      %mul3A_124 = arith.muli %add3A_122, %mul3A_123 : i32
      %swap3A_125 = arith.index_cast %mul3A_124 : i32 to index
      %swap3A_126 = tpu.vector_load %arg5[%swap3A_125] {strides = array<i32>} : memref<119808xf32, #tpu.memory_space<vmem>>, vector<16xf32>,
      tpu.vector_store %arg5[%swap3A_125], %broadcast_in_dim3A_54 {strides = array<i32>} : memref<119808xf32, #tpu.memory_space<vmem>>, vector<16xf32>,
      %mul3A_127 = arith.constant 8 : i32
      %mul3A_128 = arith.muli %scan3A_71, %mul3A_127 : i32
      %add3A_129 = arith.constant 7 : i32
      %add3A_130 = arith.addi %mul3A_128, %add3A_129 : i32
      %mul3A_131 = arith.constant 16 : i32
      %mul3A_132 = arith.muli %add3A_130, %mul3A_131 : i32
      %swap3A_133 = arith.index_cast %mul3A_132 : i32 to index
      %swap3A_134 = tpu.vector_load %arg5[%swap3A_133] {strides = array<i32>} : memref<119808xf32, #tpu.memory_space<vmem>>, vector<16xf32>,
      tpu.vector_store %arg5[%swap3A_133], %broadcast_in_dim3A_54 {strides = array<i32>} : memref<119808xf32, #tpu.memory_space<vmem>>, vector<16xf32>,
    }
    %scan3A_59 = arith.constant 936 : i32
    %scan3A_60 = arith.constant 0 : i32
    %scan3A_61 = arith.constant 0 : i32
    %scan3A_62 = arith.constant 50 : i32
    %scan3A_63 = arith.addi %scan3A_61, %scan3A_62 : i32
    %scan3A_64 = arith.constant 1 : i32
    scf.for %scan3A_71 = %scan3A_61 to %scan3A_63 step %scan3A_64  : i32 {
      %and3A_72 = arith.constant 1 : i32
      %and3A_73 = arith.andi %scan3A_71, %and3A_72 : i32
      %mul3A_74 = arith.constant 2048 : i32
      %mul3A_75 = arith.muli %scan3A_71, %mul3A_74 : i32
      %add3A_76 = arith.addi %mul3A_34, %mul3A_75 : i32
      %mul3A_77 = arith.constant 2048 : i32
      %mul3A_78 = arith.muli %and3A_73, %mul3A_77 : i32
      %dma_wait3A = tpu.memref_slice %arg6[%mul3A_78] : memref<4096xi32, #tpu.memory_space<vmem>> -> memref<2048xi32, #tpu.memory_space<vmem>>
      %dma_wait3A_79 = tpu.memref_slice %arg2[%add3A_76] : memref<819200xi32, #tpu.memory_space<hbm>> -> memref<2048xi32, #tpu.memory_space<hbm>>
      %dma_wait3A_80 = tpu.memref_slice %arg8[%and3A_73] : memref<2x!tpu.dma_semaphore, #tpu.memory_space<semaphore_mem>> -> memref<1x!tpu.dma_semaphore, #tpu.memory_space<semaphore_mem>>
      %dma_wait3A_81 = tpu.memref_squeeze %dma_wait3A_80 : memref<1x!tpu.dma_semaphore, #tpu.memory_space<semaphore_mem>> -> memref<!tpu.dma_semaphore, #tpu.memory_space<semaphore_mem>>
      %dma_wait3A_82 = tpu.memref_slice %arg6[%mul3A_78] : memref<4096xi32, #tpu.memory_space<vmem>> -> memref<2048xi32, #tpu.memory_space<vmem>>
      %dma_wait3A_83 = tpu.memref_slice %arg2[%add3A_76] : memref<819200xi32, #tpu.memory_space<hbm>> -> memref<2048xi32, #tpu.memory_space<hbm>>
      tpu.wait_dma2 semaphore(%dma_wait3A_81 : memref<!tpu.dma_semaphore, #tpu.memory_space<semaphore_mem>>) src(%dma_wait3A_83 : memref<2048xi32, #tpu.memory_space<hbm>>) dst(%dma_wait3A_82 : memref<2048xi32, #tpu.memory_space<vmem>>)
      %mul3A_84 = arith.constant 2048 : i32
      %mul3A_85 = arith.muli %and3A_73, %mul3A_84 : i32
      %dma_wait3A_86 = tpu.memref_slice %arg7[%mul3A_85] : memref<4096xf32, #tpu.memory_space<vmem>> -> memref<2048xf32, #tpu.memory_space<vmem>>
      %dma_wait3A_87 = tpu.memref_slice %arg3[%add3A_76] : memref<819200xf32, #tpu.memory_space<hbm>> -> memref<2048xf32, #tpu.memory_space<hbm>>
      %dma_wait3A_88 = tpu.memref_slice %arg8[%and3A_73] : memref<2x!tpu.dma_semaphore, #tpu.memory_space<semaphore_mem>> -> memref<1x!tpu.dma_semaphore, #tpu.memory_space<semaphore_mem>>
      %dma_wait3A_89 = tpu.memref_squeeze %dma_wait3A_88 : memref<1x!tpu.dma_semaphore, #tpu.memory_space<semaphore_mem>> -> memref<!tpu.dma_semaphore, #tpu.memory_space<semaphore_mem>>
      %dma_wait3A_90 = tpu.memref_slice %arg7[%mul3A_85] : memref<4096xf32, #tpu.memory_space<vmem>> -> memref<2048xf32, #tpu.memory_space<vmem>>
      %dma_wait3A_91 = tpu.memref_slice %arg3[%add3A_76] : memref<819200xf32, #tpu.memory_space<hbm>> -> memref<2048xf32, #tpu.memory_space<hbm>>
      tpu.wait_dma2 semaphore(%dma_wait3A_89 : memref<!tpu.dma_semaphore, #tpu.memory_space<semaphore_mem>>) src(%dma_wait3A_91 : memref<2048xf32, #tpu.memory_space<hbm>>) dst(%dma_wait3A_90 : memref<2048xf32, #tpu.memory_space<vmem>>)
      %add3A_92 = arith.constant 2 : i32
      %add3A_93 = arith.addi %scan3A_71, %add3A_92 : i32
      %sub3A_94 = arith.constant 1 : i32
      %sub3A_95 = arith.subi %add3A_93, %sub3A_94 : i32
      %lt3A_96 = arith.constant 50 : i32
      %lt3A_97 = arith.cmpi slt, %sub3A_95, %lt3A_96 : i32
      %convert_element_type3A = arith.extui %lt3A_97 : i1 to i32
      %cond3A = arith.constant 0 : i32
      %cond3A_98 = arith.cmpi ne, %convert_element_type3A, %cond3A : i32
      scf.if %cond3A_98 {
        %add3A_104 = arith.constant 2 : i32
        %add3A_105 = arith.addi %scan3A_71, %add3A_104 : i32
        %sub3A_106 = arith.constant 1 : i32
        %sub3A_107 = arith.subi %add3A_105, %sub3A_106 : i32
        %add3A_108 = arith.constant 2 : i32
        %add3A_109 = arith.addi %scan3A_71, %add3A_108 : i32
        %sub3A_110 = arith.constant 1 : i32
        %sub3A_111 = arith.subi %add3A_109, %sub3A_110 : i32
        %and3A_112 = arith.constant 1 : i32
        %and3A_113 = arith.andi %sub3A_111, %and3A_112 : i32
        %mul3A_114 = arith.constant 2048 : i32
        %mul3A_115 = arith.muli %sub3A_107, %mul3A_114 : i32
        %add3A_116 = arith.addi %mul3A_34, %mul3A_115 : i32
        %mul3A_117 = arith.constant 2048 : i32
        %mul3A_118 = arith.muli %and3A_113, %mul3A_117 : i32
        %dma_start3A_119 = tpu.memref_slice %arg6[%mul3A_118] : memref<4096xi32, #tpu.memory_space<vmem>> -> memref<2048xi32, #tpu.memory_space<vmem>>
        %dma_start3A_120 = tpu.memref_slice %arg2[%add3A_116] : memref<819200xi32, #tpu.memory_space<hbm>> -> memref<2048xi32, #tpu.memory_space<hbm>>
        %dma_start3A_121 = tpu.memref_slice %arg8[%and3A_113] : memref<2x!tpu.dma_semaphore, #tpu.memory_space<semaphore_mem>> -> memref<1x!tpu.dma_semaphore, #tpu.memory_space<semaphore_mem>>
        %dma_start3A_122 = tpu.memref_squeeze %dma_start3A_121 : memref<1x!tpu.dma_semaphore, #tpu.memory_space<semaphore_mem>> -> memref<!tpu.dma_semaphore, #tpu.memory_space<semaphore_mem>>
        %dma_start3A_123 = tpu.memref_slice %arg6[%mul3A_118] : memref<4096xi32, #tpu.memory_space<vmem>> -> memref<2048xi32, #tpu.memory_space<vmem>>
        %dma_start3A_124 = tpu.memref_slice %arg2[%add3A_116] : memref<819200xi32, #tpu.memory_space<hbm>> -> memref<2048xi32, #tpu.memory_space<hbm>>
        tpu.enqueue_dma source(%dma_start3A_124 : memref<2048xi32, #tpu.memory_space<hbm>>) target(%dma_start3A_123 : memref<2048xi32, #tpu.memory_space<vmem>>) target_semaphore(%dma_start3A_122 : memref<!tpu.dma_semaphore, #tpu.memory_space<semaphore_mem>>)
        %mul3A_125 = arith.constant 2048 : i32
        %mul3A_126 = arith.muli %and3A_113, %mul3A_125 : i32
        %dma_start3A_127 = tpu.memref_slice %arg7[%mul3A_126] : memref<4096xf32, #tpu.memory_space<vmem>> -> memref<2048xf32, #tpu.memory_space<vmem>>
        %dma_start3A_128 = tpu.memref_slice %arg3[%add3A_116] : memref<819200xf32, #tpu.memory_space<hbm>> -> memref<2048xf32, #tpu.memory_space<hbm>>
        %dma_start3A_129 = tpu.memref_slice %arg8[%and3A_113] : memref<2x!tpu.dma_semaphore, #tpu.memory_space<semaphore_mem>> -> memref<1x!tpu.dma_semaphore, #tpu.memory_space<semaphore_mem>>
        %dma_start3A_130 = tpu.memref_squeeze %dma_start3A_129 : memref<1x!tpu.dma_semaphore, #tpu.memory_space<semaphore_mem>> -> memref<!tpu.dma_semaphore, #tpu.memory_space<semaphore_mem>>
        %dma_start3A_131 = tpu.memref_slice %arg7[%mul3A_126] : memref<4096xf32, #tpu.memory_space<vmem>> -> memref<2048xf32, #tpu.memory_space<vmem>>
        %dma_start3A_132 = tpu.memref_slice %arg3[%add3A_116] : memref<819200xf32, #tpu.memory_space<hbm>> -> memref<2048xf32, #tpu.memory_space<hbm>>
        tpu.enqueue_dma source(%dma_start3A_132 : memref<2048xf32, #tpu.memory_space<hbm>>) target(%dma_start3A_131 : memref<2048xf32, #tpu.memory_space<vmem>>) target_semaphore(%dma_start3A_130 : memref<!tpu.dma_semaphore, #tpu.memory_space<semaphore_mem>>)
      } else {
      }
      %scan3A_99 = arith.constant 0 : i32
      %scan3A_100 = arith.constant 32 : i32
      %scan3A_101 = arith.addi %scan3A_99, %scan3A_100 : i32
      %scan3A_102 = arith.constant 1 : i32
      scf.for %scan3A_104 = %scan3A_99 to %scan3A_101 step %scan3A_102  : i32 {
        %mul3A_105 = arith.constant 2048 : i32
        %mul3A_106 = arith.muli %and3A_73, %mul3A_105 : i32
        %mul3A_107 = arith.constant 4 : i32
        %mul3A_108 = arith.muli %scan3A_104, %mul3A_107 : i32
        %add3A_109 = arith.constant 0 : i32
        %add3A_110 = arith.addi %mul3A_108, %add3A_109 : i32
        %mul3A_111 = arith.constant 16 : i32
        %mul3A_112 = arith.muli %add3A_110, %mul3A_111 : i32
        %add3A_113 = arith.addi %mul3A_106, %mul3A_112 : i32
        %get3A = arith.index_cast %add3A_113 : i32 to index
        %get3A_114 = tpu.vector_load %arg6[%get3A] {strides = array<i32>} : memref<4096xi32, #tpu.memory_space<vmem>>, vector<16xi32>,
        %get3A_115 = arith.index_cast %add3A_113 : i32 to index
        %get3A_116 = tpu.vector_load %arg7[%get3A_115] {strides = array<i32>} : memref<4096xf32, #tpu.memory_space<vmem>>, vector<16xf32>,
        %shift_right_logical3A = arith.constant 9 : i32
        %shift_right_logical3A_117 = vector.broadcast %shift_right_logical3A : i32 to vector<16xi32>
        %shift_right_logical3A_118 = arith.shrui %get3A_114, %shift_right_logical3A_117 : vector<16xi32>
        %and3A_119 = arith.constant 511 : i32
        %and3A_120 = vector.broadcast %and3A_119 : i32 to vector<16xi32>
        %and3A_121 = arith.andi %get3A_114, %and3A_120 : vector<16xi32>
        %sub3A_122 = vector.broadcast %mul3A_32 : i32 to vector<16xi32>
        %sub3A_123 = arith.subi %shift_right_logical3A_118, %sub3A_122 : vector<16xi32>
        %ge3A = arith.constant 0 : i32
        %ge3A_124 = vector.broadcast %ge3A : i32 to vector<16xi32>
        %ge3A_125 = arith.cmpi sge, %sub3A_123, %ge3A_124 : vector<16xi32>
        %lt3A_126 = arith.constant 312 : i32
        %lt3A_127 = vector.broadcast %lt3A_126 : i32 to vector<16xi32>
        %lt3A_128 = arith.cmpi slt, %sub3A_123, %lt3A_127 : vector<16xi32>
        %and3A_129 = arith.andi %ge3A_125, %lt3A_128 : vector<16xi1>
        %shift_right_logical3A_130 = arith.constant 7 : i32
        %shift_right_logical3A_131 = vector.broadcast %shift_right_logical3A_130 : i32 to vector<16xi32>
        %shift_right_logical3A_132 = arith.shrui %and3A_121, %shift_right_logical3A_131 : vector<16xi32>
        %mul3A_133 = arith.constant 312 : i32
        %mul3A_134 = vector.broadcast %mul3A_133 : i32 to vector<16xi32>
        %mul3A_135 = arith.muli %shift_right_logical3A_132, %mul3A_134 : vector<16xi32>
        %add3A_136 = arith.addi %mul3A_135, %sub3A_123 : vector<16xi32>
        %mul3A_137 = arith.constant 128 : i32
        %mul3A_138 = vector.broadcast %mul3A_137 : i32 to vector<16xi32>
        %mul3A_139 = arith.muli %add3A_136, %mul3A_138 : vector<16xi32>
        %and3A_140 = arith.constant 127 : i32
        %and3A_141 = vector.broadcast %and3A_140 : i32 to vector<16xi32>
        %and3A_142 = arith.andi %and3A_121, %and3A_141 : vector<16xi32>
        %add3A_143 = arith.addi %mul3A_139, %and3A_142 : vector<16xi32>
        tpu.vector_store_idx %arg5[%add3A_143], %get3A_116 masked %and3A_129 : memref<119808xf32, #tpu.memory_space<vmem>>[vector<16xi32>], vector<16xf32>, vector<16xi1>
        %mul3A_144 = arith.constant 2048 : i32
        %mul3A_145 = arith.muli %and3A_73, %mul3A_144 : i32
        %mul3A_146 = arith.constant 4 : i32
        %mul3A_147 = arith.muli %scan3A_104, %mul3A_146 : i32
        %add3A_148 = arith.constant 1 : i32
        %add3A_149 = arith.addi %mul3A_147, %add3A_148 : i32
        %mul3A_150 = arith.constant 16 : i32
        %mul3A_151 = arith.muli %add3A_149, %mul3A_150 : i32
        %add3A_152 = arith.addi %mul3A_145, %mul3A_151 : i32
        %get3A_153 = arith.index_cast %add3A_152 : i32 to index
        %get3A_154 = tpu.vector_load %arg6[%get3A_153] {strides = array<i32>} : memref<4096xi32, #tpu.memory_space<vmem>>, vector<16xi32>,
        %get3A_155 = arith.index_cast %add3A_152 : i32 to index
        %get3A_156 = tpu.vector_load %arg7[%get3A_155] {strides = array<i32>} : memref<4096xf32, #tpu.memory_space<vmem>>, vector<16xf32>,
        %shift_right_logical3A_157 = arith.constant 9 : i32
        %shift_right_logical3A_158 = vector.broadcast %shift_right_logical3A_157 : i32 to vector<16xi32>
        %shift_right_logical3A_159 = arith.shrui %get3A_154, %shift_right_logical3A_158 : vector<16xi32>
        %and3A_160 = arith.constant 511 : i32
        %and3A_161 = vector.broadcast %and3A_160 : i32 to vector<16xi32>
        %and3A_162 = arith.andi %get3A_154, %and3A_161 : vector<16xi32>
        %sub3A_163 = vector.broadcast %mul3A_32 : i32 to vector<16xi32>
        %sub3A_164 = arith.subi %shift_right_logical3A_159, %sub3A_163 : vector<16xi32>
        %ge3A_165 = arith.constant 0 : i32
        %ge3A_166 = vector.broadcast %ge3A_165 : i32 to vector<16xi32>
        %ge3A_167 = arith.cmpi sge, %sub3A_164, %ge3A_166 : vector<16xi32>
        %lt3A_168 = arith.constant 312 : i32
        %lt3A_169 = vector.broadcast %lt3A_168 : i32 to vector<16xi32>
        %lt3A_170 = arith.cmpi slt, %sub3A_164, %lt3A_169 : vector<16xi32>
        %and3A_171 = arith.andi %ge3A_167, %lt3A_170 : vector<16xi1>
        %shift_right_logical3A_172 = arith.constant 7 : i32
        %shift_right_logical3A_173 = vector.broadcast %shift_right_logical3A_172 : i32 to vector<16xi32>
        %shift_right_logical3A_174 = arith.shrui %and3A_162, %shift_right_logical3A_173 : vector<16xi32>
        %mul3A_175 = arith.constant 312 : i32
        %mul3A_176 = vector.broadcast %mul3A_175 : i32 to vector<16xi32>
        %mul3A_177 = arith.muli %shift_right_logical3A_174, %mul3A_176 : vector<16xi32>
        %add3A_178 = arith.addi %mul3A_177, %sub3A_164 : vector<16xi32>
        %mul3A_179 = arith.constant 128 : i32
        %mul3A_180 = vector.broadcast %mul3A_179 : i32 to vector<16xi32>
        %mul3A_181 = arith.muli %add3A_178, %mul3A_180 : vector<16xi32>
        %and3A_182 = arith.constant 127 : i32
        %and3A_183 = vector.broadcast %and3A_182 : i32 to vector<16xi32>
        %and3A_184 = arith.andi %and3A_162, %and3A_183 : vector<16xi32>
        %add3A_185 = arith.addi %mul3A_181, %and3A_184 : vector<16xi32>
        tpu.vector_store_idx %arg5[%add3A_185], %get3A_156 masked %and3A_171 : memref<119808xf32, #tpu.memory_space<vmem>>[vector<16xi32>], vector<16xf32>, vector<16xi1>
        %mul3A_186 = arith.constant 2048 : i32
        %mul3A_187 = arith.muli %and3A_73, %mul3A_186 : i32
        %mul3A_188 = arith.constant 4 : i32
        %mul3A_189 = arith.muli %scan3A_104, %mul3A_188 : i32
        %add3A_190 = arith.constant 2 : i32
        %add3A_191 = arith.addi %mul3A_189, %add3A_190 : i32
        %mul3A_192 = arith.constant 16 : i32
        %mul3A_193 = arith.muli %add3A_191, %mul3A_192 : i32
        %add3A_194 = arith.addi %mul3A_187, %mul3A_193 : i32
        %get3A_195 = arith.index_cast %add3A_194 : i32 to index
        %get3A_196 = tpu.vector_load %arg6[%get3A_195] {strides = array<i32>} : memref<4096xi32, #tpu.memory_space<vmem>>, vector<16xi32>,
        %get3A_197 = arith.index_cast %add3A_194 : i32 to index
        %get3A_198 = tpu.vector_load %arg7[%get3A_197] {strides = array<i32>} : memref<4096xf32, #tpu.memory_space<vmem>>, vector<16xf32>,
        %shift_right_logical3A_199 = arith.constant 9 : i32
        %shift_right_logical3A_200 = vector.broadcast %shift_right_logical3A_199 : i32 to vector<16xi32>
        %shift_right_logical3A_201 = arith.shrui %get3A_196, %shift_right_logical3A_200 : vector<16xi32>
        %and3A_202 = arith.constant 511 : i32
        %and3A_203 = vector.broadcast %and3A_202 : i32 to vector<16xi32>
        %and3A_204 = arith.andi %get3A_196, %and3A_203 : vector<16xi32>
        %sub3A_205 = vector.broadcast %mul3A_32 : i32 to vector<16xi32>
        %sub3A_206 = arith.subi %shift_right_logical3A_201, %sub3A_205 : vector<16xi32>
        %ge3A_207 = arith.constant 0 : i32
        %ge3A_208 = vector.broadcast %ge3A_207 : i32 to vector<16xi32>
        %ge3A_209 = arith.cmpi sge, %sub3A_206, %ge3A_208 : vector<16xi32>
        %lt3A_210 = arith.constant 312 : i32
        %lt3A_211 = vector.broadcast %lt3A_210 : i32 to vector<16xi32>
        %lt3A_212 = arith.cmpi slt, %sub3A_206, %lt3A_211 : vector<16xi32>
        %and3A_213 = arith.andi %ge3A_209, %lt3A_212 : vector<16xi1>
        %shift_right_logical3A_214 = arith.constant 7 : i32
        %shift_right_logical3A_215 = vector.broadcast %shift_right_logical3A_214 : i32 to vector<16xi32>
        %shift_right_logical3A_216 = arith.shrui %and3A_204, %shift_right_logical3A_215 : vector<16xi32>
        %mul3A_217 = arith.constant 312 : i32
        %mul3A_218 = vector.broadcast %mul3A_217 : i32 to vector<16xi32>
        %mul3A_219 = arith.muli %shift_right_logical3A_216, %mul3A_218 : vector<16xi32>
        %add3A_220 = arith.addi %mul3A_219, %sub3A_206 : vector<16xi32>
        %mul3A_221 = arith.constant 128 : i32
        %mul3A_222 = vector.broadcast %mul3A_221 : i32 to vector<16xi32>
        %mul3A_223 = arith.muli %add3A_220, %mul3A_222 : vector<16xi32>
        %and3A_224 = arith.constant 127 : i32
        %and3A_225 = vector.broadcast %and3A_224 : i32 to vector<16xi32>
        %and3A_226 = arith.andi %and3A_204, %and3A_225 : vector<16xi32>
        %add3A_227 = arith.addi %mul3A_223, %and3A_226 : vector<16xi32>
        tpu.vector_store_idx %arg5[%add3A_227], %get3A_198 masked %and3A_213 : memref<119808xf32, #tpu.memory_space<vmem>>[vector<16xi32>], vector<16xf32>, vector<16xi1>
        %mul3A_228 = arith.constant 2048 : i32
        %mul3A_229 = arith.muli %and3A_73, %mul3A_228 : i32
        %mul3A_230 = arith.constant 4 : i32
        %mul3A_231 = arith.muli %scan3A_104, %mul3A_230 : i32
        %add3A_232 = arith.constant 3 : i32
        %add3A_233 = arith.addi %mul3A_231, %add3A_232 : i32
        %mul3A_234 = arith.constant 16 : i32
        %mul3A_235 = arith.muli %add3A_233, %mul3A_234 : i32
        %add3A_236 = arith.addi %mul3A_229, %mul3A_235 : i32
        %get3A_237 = arith.index_cast %add3A_236 : i32 to index
        %get3A_238 = tpu.vector_load %arg6[%get3A_237] {strides = array<i32>} : memref<4096xi32, #tpu.memory_space<vmem>>, vector<16xi32>,
        %get3A_239 = arith.index_cast %add3A_236 : i32 to index
        %get3A_240 = tpu.vector_load %arg7[%get3A_239] {strides = array<i32>} : memref<4096xf32, #tpu.memory_space<vmem>>, vector<16xf32>,
        %shift_right_logical3A_241 = arith.constant 9 : i32
        %shift_right_logical3A_242 = vector.broadcast %shift_right_logical3A_241 : i32 to vector<16xi32>
        %shift_right_logical3A_243 = arith.shrui %get3A_238, %shift_right_logical3A_242 : vector<16xi32>
        %and3A_244 = arith.constant 511 : i32
        %and3A_245 = vector.broadcast %and3A_244 : i32 to vector<16xi32>
        %and3A_246 = arith.andi %get3A_238, %and3A_245 : vector<16xi32>
        %sub3A_247 = vector.broadcast %mul3A_32 : i32 to vector<16xi32>
        %sub3A_248 = arith.subi %shift_right_logical3A_243, %sub3A_247 : vector<16xi32>
        %ge3A_249 = arith.constant 0 : i32
        %ge3A_250 = vector.broadcast %ge3A_249 : i32 to vector<16xi32>
        %ge3A_251 = arith.cmpi sge, %sub3A_248, %ge3A_250 : vector<16xi32>
        %lt3A_252 = arith.constant 312 : i32
        %lt3A_253 = vector.broadcast %lt3A_252 : i32 to vector<16xi32>
        %lt3A_254 = arith.cmpi slt, %sub3A_248, %lt3A_253 : vector<16xi32>
        %and3A_255 = arith.andi %ge3A_251, %lt3A_254 : vector<16xi1>
        %shift_right_logical3A_256 = arith.constant 7 : i32
        %shift_right_logical3A_257 = vector.broadcast %shift_right_logical3A_256 : i32 to vector<16xi32>
        %shift_right_logical3A_258 = arith.shrui %and3A_246, %shift_right_logical3A_257 : vector<16xi32>
        %mul3A_259 = arith.constant 312 : i32
        %mul3A_260 = vector.broadcast %mul3A_259 : i32 to vector<16xi32>
        %mul3A_261 = arith.muli %shift_right_logical3A_258, %mul3A_260 : vector<16xi32>
        %add3A_262 = arith.addi %mul3A_261, %sub3A_248 : vector<16xi32>
        %mul3A_263 = arith.constant 128 : i32
        %mul3A_264 = vector.broadcast %mul3A_263 : i32 to vector<16xi32>
        %mul3A_265 = arith.muli %add3A_262, %mul3A_264 : vector<16xi32>
        %and3A_266 = arith.constant 127 : i32
        %and3A_267 = vector.broadcast %and3A_266 : i32 to vector<16xi32>
        %and3A_268 = arith.andi %and3A_246, %and3A_267 : vector<16xi32>
        %add3A_269 = arith.addi %mul3A_265, %and3A_268 : vector<16xi32>
        tpu.vector_store_idx %arg5[%add3A_269], %get3A_240 masked %and3A_255 : memref<119808xf32, #tpu.memory_space<vmem>>[vector<16xi32>], vector<16xf32>, vector<16xi1>
      }
      %scan3A_103 = arith.constant 32 : i32
    }
    %scan3A_65 = arith.constant 50 : i32
    %mul3A_66 = arith.constant 8 : i32
    %mul3A_67 = arith.muli %select_n3A_30, %mul3A_66 : i32
    %add3A_68 = arith.addi %mul3A_67, %select_n3A : i32
    %mul3A_69 = arith.constant 119808 : i32
    %mul3A_70 = arith.muli %add3A_68, %mul3A_69 : i32
    "tpu.region"() ({
      %run_scoped3A = tpu.sem_alloc : memref<!tpu.dma_semaphore, #tpu.memory_space<semaphore_mem>>
      %dma_start3A_71 = tpu.memref_slice %arg4[%mul3A_70] : memref<3833856xf32, #tpu.memory_space<hbm>> -> memref<119808xf32, #tpu.memory_space<hbm>>
      %dma_start3A_72 = tpu.memref_slice %arg4[%mul3A_70] : memref<3833856xf32, #tpu.memory_space<hbm>> -> memref<119808xf32, #tpu.memory_space<hbm>>
      tpu.enqueue_dma source(%arg5 : memref<119808xf32, #tpu.memory_space<vmem>>) target(%dma_start3A_72 : memref<119808xf32, #tpu.memory_space<hbm>>) target_semaphore(%run_scoped3A : memref<!tpu.dma_semaphore, #tpu.memory_space<semaphore_mem>>)
      %dma_wait3A = tpu.memref_slice %arg4[%mul3A_70] : memref<3833856xf32, #tpu.memory_space<hbm>> -> memref<119808xf32, #tpu.memory_space<hbm>>
      %dma_wait3A_73 = tpu.memref_slice %arg4[%mul3A_70] : memref<3833856xf32, #tpu.memory_space<hbm>> -> memref<119808xf32, #tpu.memory_space<hbm>>
      tpu.wait_dma2 semaphore(%run_scoped3A : memref<!tpu.dma_semaphore, #tpu.memory_space<semaphore_mem>>) src(%arg5 : memref<119808xf32, #tpu.memory_space<vmem>>) dst(%dma_wait3A_73 : memref<119808xf32, #tpu.memory_space<hbm>>)
      tpu.yield
    }) : () -> ()
    return
  }
}

module attributes {stable_mosaic.version = 14 : i64} {
  func.func @_tc1_body(%arg0: i32, %arg1: memref<1x4x100000xf32, #tpu.memory_space<vmem>>, %arg2: memref<1x8x4xf32, #tpu.memory_space<vmem>>, %arg3: memref<8x3xf32, #tpu.memory_space<smem>>, %arg4: memref<8x3xf32, #tpu.memory_space<smem>>, %arg5: memref<8x3xf32, #tpu.memory_space<smem>>, %arg6: memref<8x3xf32, #tpu.memory_space<smem>>, %arg7: memref<102400xi32, #tpu.memory_space<vmem>>, %arg8: memref<102400xf32, #tpu.memory_space<vmem>>, %arg9: memref<1x1x128xf32, #tpu.memory_space<vmem>>) attributes {dimension_semantics = [#tpu.dimension_semantics<arbitrary>], iteration_bounds = array<i64: 8>, scalar_prefetch = 0 : i64, scratch_operands = 0 : i64, tpu.core_type = #tpu.core_type<tc>, window_params = [{transform_indices = @transform_0, window_bounds = array<i64: 1, 4, 100000>}, {transform_indices = @transform_1, window_bounds = array<i64: 1, 8, 4>}, {transform_indices = @transform_2, window_bounds = array<i64: 8, 3>}, {transform_indices = @transform_3, window_bounds = array<i64: 8, 3>}, {transform_indices = @transform_4, window_bounds = array<i64: 8, 3>}, {transform_indices = @transform_5, window_bounds = array<i64: 8, 3>}, {transform_indices = @transform_6, window_bounds = array<i64: 102400>}, {transform_indices = @transform_7, window_bounds = array<i64: 102400>}, {transform_indices = @transform_8, window_bounds = array<i64: 1, 1, 128>}]} {
    %get3A = arith.constant 0 : index
    %get3A_0 = arith.constant 0 : index
    %get3A_1 = arith.constant 0 : index
    %get3A_2 = vector.load %arg1[%get3A, %get3A_0, %get3A_1] : memref<1x4x100000xf32, #tpu.memory_space<vmem>>, vector<1x4x100000xf32>
    %get3A_3 = vector.shape_cast %get3A_2 : vector<1x4x100000xf32> to vector<4x100000xf32>
    %get3A_4 = arith.constant 0 : index
    %get3A_5 = arith.constant 0 : index
    %get3A_6 = arith.constant 0 : index
    %get3A_7 = vector.load %arg2[%get3A_4, %get3A_5, %get3A_6] : memref<1x8x4xf32, #tpu.memory_space<vmem>>, vector<1x8x4xf32>
    %get3A_8 = vector.shape_cast %get3A_7 : vector<1x8x4xf32> to vector<8x4xf32>
    %dot_general3A = arith.constant dense<0.000000e+00> : vector<8x100000xf32>
    %dot_general3A_9 = tpu.matmul %get3A_8, %get3A_3, %dot_general3A {dimension_numbers = #tpu.dot_dimension_numbers<[1], [0], [0], [1], [0, 0, 1, 1], [], []>, precision = #tpu.contract_precision<fp32>, transpose_lhs_hint = false} : vector<8x4xf32>, vector<4x100000xf32>, vector<8x100000xf32> -> vector<8x100000xf32>
    %slice3A = vector.extract_strided_slice %dot_general3A_9 {offsets = [3, 0], sizes = [5, 100000], strides = [1, 1]} : vector<8x100000xf32> to vector<5x100000xf32>
    %slice3A_10 = vector.extract_strided_slice %dot_general3A_9 {offsets = [3, 0], sizes = [5, 100000], strides = [1, 1]} : vector<8x100000xf32> to vector<5x100000xf32>
    %mul3A = arith.mulf %slice3A, %slice3A_10 : vector<5x100000xf32>
    %broadcast_in_dim3A = arith.constant 1.000000e+00 : f32
    %broadcast_in_dim3A_11 = vector.broadcast %broadcast_in_dim3A : f32 to vector<1x5xf32>
    %dot_general3A_12 = arith.constant dense<0.000000e+00> : vector<1x100000xf32>
    %dot_general3A_13 = tpu.matmul %broadcast_in_dim3A_11, %mul3A, %dot_general3A_12 {dimension_numbers = #tpu.dot_dimension_numbers<[1], [0], [0], [1], [0, 0, 1, 1], [], []>, precision = #tpu.contract_precision<fp32>, transpose_lhs_hint = false} : vector<1x5xf32>, vector<5x100000xf32>, vector<1x100000xf32> -> vector<1x100000xf32>
    %sqrt3A = math.sqrt %dot_general3A_13 : vector<1x100000xf32>
    %reduce_sum3A = vector.shape_cast %sqrt3A : vector<1x100000xf32> to vector<1x1x100000xf32>
    %reduce_sum3A_14 = arith.constant dense<0.000000e+00> : vector<1xf32>
    %reduce_sum3A_15 = vector.multi_reduction <add>, %reduce_sum3A, %reduce_sum3A_14 [1, 2] : vector<1x1x100000xf32> to vector<1xf32>
    %reduce_sum3A_16 = vector.shape_cast %reduce_sum3A_15 : vector<1xf32> to vector<1x1x1xf32>
    %reduce_sum3A_17 = vector.extract %reduce_sum3A_16[0, 0, 0] : f32 from vector<1x1x1xf32>
    %mul3A_18 = arith.constant 9.99999974E-6 : f32
    %mul3A_19 = arith.mulf %reduce_sum3A_17, %mul3A_18 : f32
    %slice3A_20 = vector.extract_strided_slice %dot_general3A_9 {offsets = [0, 0], sizes = [1, 100000], strides = [1, 1]} : vector<8x100000xf32> to vector<1x100000xf32>
    %slice3A_21 = vector.extract_strided_slice %dot_general3A_9 {offsets = [1, 0], sizes = [1, 100000], strides = [1, 1]} : vector<8x100000xf32> to vector<1x100000xf32>
    %slice3A_22 = vector.extract_strided_slice %dot_general3A_9 {offsets = [2, 0], sizes = [1, 100000], strides = [1, 1]} : vector<8x100000xf32> to vector<1x100000xf32>
    %div3A = arith.divf %slice3A_20, %slice3A_22 : vector<1x100000xf32>
    %jit3A = arith.constant 0.000000e+00 : f32
    %jit3A_23 = arith.constant 1241 : i32
    %max3A = vector.broadcast %jit3A : f32 to vector<1x100000xf32>
    %max3A_24 = arith.maximumf %max3A, %div3A : vector<1x100000xf32>
    %convert_element_type3A = arith.sitofp %jit3A_23 : i32 to f32
    %min3A = vector.broadcast %convert_element_type3A : f32 to vector<1x100000xf32>
    %min3A_25 = arith.minimumf %min3A, %max3A_24 : vector<1x100000xf32>
    %convert_element_type3A_26 = arith.fptosi %min3A_25 : vector<1x100000xf32> to vector<1x100000xi32>
    %div3A_27 = arith.divf %slice3A_21, %slice3A_22 : vector<1x100000xf32>
    %jit3A_28 = arith.constant 0.000000e+00 : f32
    %jit3A_29 = arith.constant 374 : i32
    %max3A_30 = vector.broadcast %jit3A_28 : f32 to vector<1x100000xf32>
    %max3A_31 = arith.maximumf %max3A_30, %div3A_27 : vector<1x100000xf32>
    %convert_element_type3A_32 = arith.sitofp %jit3A_29 : i32 to f32
    %min3A_33 = vector.broadcast %convert_element_type3A_32 : f32 to vector<1x100000xf32>
    %min3A_34 = arith.minimumf %min3A_33, %max3A_31 : vector<1x100000xf32>
    %convert_element_type3A_35 = arith.fptosi %min3A_34 : vector<1x100000xf32> to vector<1x100000xi32>
    %gt3A = arith.constant 0.000000e+00 : f32
    %gt3A_36 = vector.broadcast %gt3A : f32 to vector<1x100000xf32>
    %gt3A_37 = arith.cmpf ogt, %slice3A_22, %gt3A_36 : vector<1x100000xf32>
    %mul3A_38 = arith.constant 512 : i32
    %mul3A_39 = vector.broadcast %mul3A_38 : i32 to vector<1x100000xi32>
    %mul3A_40 = arith.muli %convert_element_type3A_26, %mul3A_39 : vector<1x100000xi32>
    %add3A = arith.addi %mul3A_40, %convert_element_type3A_35 : vector<1x100000xi32>
    %jit3A_41 = arith.constant 1048576 : i32
    %broadcast_in_dim3A_42 = vector.broadcast %jit3A_41 : i32 to vector<1x100000xi32>
    %select_n3A = arith.select %gt3A_37, %add3A, %broadcast_in_dim3A_42 : vector<1x100000xi1>, vector<1x100000xi32>
    %broadcast_in_dim3A_43 = arith.constant 1048576 : i32
    %broadcast_in_dim3A_44 = vector.broadcast %broadcast_in_dim3A_43 : i32 to vector<1x2400xi32>
    %concatenate3A = tpu.concatenate %select_n3A, %broadcast_in_dim3A_44 in 1 : vector<1x100000xi32>, vector<1x2400xi32> -> vector<1x102400xi32>
    %broadcast_in_dim3A_45 = arith.constant 0.000000e+00 : f32
    %broadcast_in_dim3A_46 = vector.broadcast %broadcast_in_dim3A_45 : f32 to vector<1x2400xf32>
    %concatenate3A_47 = tpu.concatenate %slice3A_22, %broadcast_in_dim3A_46 in 1 : vector<1x100000xf32>, vector<1x2400xf32> -> vector<1x102400xf32>
    %squeeze3A = vector.shape_cast %concatenate3A : vector<1x102400xi32> to vector<102400xi32>
    %swap3A = arith.constant 0 : index
    %swap3A_48 = vector.load %arg7[%swap3A] : memref<102400xi32, #tpu.memory_space<vmem>>, vector<102400xi32>
    tpu.vector_store %arg7[%swap3A], %squeeze3A {strides = array<i32>} : memref<102400xi32, #tpu.memory_space<vmem>>, vector<102400xi32>,
    %squeeze3A_49 = vector.shape_cast %concatenate3A_47 : vector<1x102400xf32> to vector<102400xf32>
    %swap3A_50 = arith.constant 0 : index
    %swap3A_51 = vector.load %arg8[%swap3A_50] : memref<102400xf32, #tpu.memory_space<vmem>>, vector<102400xf32>
    tpu.vector_store %arg8[%swap3A_50], %squeeze3A_49 {strides = array<i32>} : memref<102400xf32, #tpu.memory_space<vmem>>, vector<102400xf32>,
    %get3A_52 = arith.index_cast %arg0 : i32 to index
    %get3A_53 = arith.constant 0 : index
    %get3A_54 = memref.load %arg3[%get3A_52, %get3A_53] : memref<8x3xf32, #tpu.memory_space<smem>>
    %get3A_55 = arith.index_cast %arg0 : i32 to index
    %get3A_56 = arith.constant 0 : index
    %get3A_57 = memref.load %arg4[%get3A_55, %get3A_56] : memref<8x3xf32, #tpu.memory_space<smem>>
    %sub3A = arith.subf %get3A_54, %get3A_57 : f32
    %get3A_58 = arith.index_cast %arg0 : i32 to index
    %get3A_59 = arith.constant 1 : index
    %get3A_60 = memref.load %arg3[%get3A_58, %get3A_59] : memref<8x3xf32, #tpu.memory_space<smem>>
    %get3A_61 = arith.index_cast %arg0 : i32 to index
    %get3A_62 = arith.constant 1 : index
    %get3A_63 = memref.load %arg4[%get3A_61, %get3A_62] : memref<8x3xf32, #tpu.memory_space<smem>>
    %sub3A_64 = arith.subf %get3A_60, %get3A_63 : f32
    %get3A_65 = arith.index_cast %arg0 : i32 to index
    %get3A_66 = arith.constant 2 : index
    %get3A_67 = memref.load %arg3[%get3A_65, %get3A_66] : memref<8x3xf32, #tpu.memory_space<smem>>
    %get3A_68 = arith.index_cast %arg0 : i32 to index
    %get3A_69 = arith.constant 2 : index
    %get3A_70 = memref.load %arg4[%get3A_68, %get3A_69] : memref<8x3xf32, #tpu.memory_space<smem>>
    %sub3A_71 = arith.subf %get3A_67, %get3A_70 : f32
    %get3A_72 = arith.index_cast %arg0 : i32 to index
    %get3A_73 = arith.constant 0 : index
    %get3A_74 = memref.load %arg5[%get3A_72, %get3A_73] : memref<8x3xf32, #tpu.memory_space<smem>>
    %get3A_75 = arith.index_cast %arg0 : i32 to index
    %get3A_76 = arith.constant 0 : index
    %get3A_77 = memref.load %arg6[%get3A_75, %get3A_76] : memref<8x3xf32, #tpu.memory_space<smem>>
    %sub3A_78 = arith.subf %get3A_74, %get3A_77 : f32
    %get3A_79 = arith.index_cast %arg0 : i32 to index
    %get3A_80 = arith.constant 1 : index
    %get3A_81 = memref.load %arg5[%get3A_79, %get3A_80] : memref<8x3xf32, #tpu.memory_space<smem>>
    %get3A_82 = arith.index_cast %arg0 : i32 to index
    %get3A_83 = arith.constant 1 : index
    %get3A_84 = memref.load %arg6[%get3A_82, %get3A_83] : memref<8x3xf32, #tpu.memory_space<smem>>
    %sub3A_85 = arith.subf %get3A_81, %get3A_84 : f32
    %get3A_86 = arith.index_cast %arg0 : i32 to index
    %get3A_87 = arith.constant 2 : index
    %get3A_88 = memref.load %arg5[%get3A_86, %get3A_87] : memref<8x3xf32, #tpu.memory_space<smem>>
    %get3A_89 = arith.index_cast %arg0 : i32 to index
    %get3A_90 = arith.constant 2 : index
    %get3A_91 = memref.load %arg6[%get3A_89, %get3A_90] : memref<8x3xf32, #tpu.memory_space<smem>>
    %sub3A_92 = arith.subf %get3A_88, %get3A_91 : f32
    %mul3A_93 = arith.mulf %sub3A, %sub3A : f32
    %mul3A_94 = arith.mulf %sub3A_64, %sub3A_64 : f32
    %add3A_95 = arith.addf %mul3A_93, %mul3A_94 : f32
    %mul3A_96 = arith.mulf %sub3A_71, %sub3A_71 : f32
    %add3A_97 = arith.addf %add3A_95, %mul3A_96 : f32
    %mul3A_98 = arith.constant 2.000000e+00 : f32
    %mul3A_99 = arith.mulf %mul3A_98, %add3A_97 : f32
    %mul3A_100 = arith.mulf %sub3A_78, %sub3A_78 : f32
    %mul3A_101 = arith.mulf %sub3A_85, %sub3A_85 : f32
    %add3A_102 = arith.addf %mul3A_100, %mul3A_101 : f32
    %mul3A_103 = arith.mulf %sub3A_92, %sub3A_92 : f32
    %add3A_104 = arith.addf %add3A_102, %mul3A_103 : f32
    %mul3A_105 = arith.constant 1.000000e+00 : f32
    %mul3A_106 = arith.mulf %mul3A_105, %add3A_104 : f32
    %add3A_107 = arith.addf %mul3A_99, %mul3A_106 : f32
    %iota3A = tpu.iota {dimensions = array<i32: 1>} : vector<1x128xi32>
    %eq3A = arith.constant 0 : i32
    %eq3A_108 = vector.broadcast %eq3A : i32 to vector<1x128xi32>
    %eq3A_109 = arith.cmpi eq, %iota3A, %eq3A_108 : vector<1x128xi32>
    %eq3A_110 = arith.constant 1 : i32
    %eq3A_111 = vector.broadcast %eq3A_110 : i32 to vector<1x128xi32>
    %eq3A_112 = arith.cmpi eq, %iota3A, %eq3A_111 : vector<1x128xi32>
    %jit3A_113 = arith.constant 0.000000e+00 : f32
    %broadcast_in_dim3A_114 = vector.broadcast %add3A_107 : f32 to vector<1x128xf32>
    %broadcast_in_dim3A_115 = vector.broadcast %jit3A_113 : f32 to vector<1x128xf32>
    %select_n3A_116 = arith.select %eq3A_112, %broadcast_in_dim3A_114, %broadcast_in_dim3A_115 : vector<1x128xi1>, vector<1x128xf32>
    %broadcast_in_dim3A_117 = vector.broadcast %mul3A_19 : f32 to vector<1x128xf32>
    %select_n3A_118 = arith.select %eq3A_109, %broadcast_in_dim3A_117, %select_n3A_116 : vector<1x128xi1>, vector<1x128xf32>
    %swap3A_119 = arith.constant 0 : index
    %swap3A_120 = arith.constant 0 : index
    %swap3A_121 = arith.constant 0 : index
    %swap3A_122 = vector.load %arg9[%swap3A_119, %swap3A_120, %swap3A_121] : memref<1x1x128xf32, #tpu.memory_space<vmem>>, vector<1x1x128xf32>
    %swap3A_123 = vector.shape_cast %swap3A_122 : vector<1x1x128xf32> to vector<1x128xf32>
    %swap3A_124 = vector.shape_cast %select_n3A_118 : vector<1x128xf32> to vector<1x1x128xf32>
    tpu.vector_store %arg9[%swap3A_119, %swap3A_120, %swap3A_121], %swap3A_124 {strides = array<i32>} : memref<1x1x128xf32, #tpu.memory_space<vmem>>, vector<1x1x128xf32>,
    return
  }
  func.func @transform_0(%arg0: i32) -> (i32, i32, i32) {
    %c0_i32 = arith.constant 0 : i32
    %c0_i32_0 = arith.constant 0 : i32
    %c0_i32_1 = arith.constant 0 : i32
    return %arg0, %c0_i32, %c0_i32_0 : i32, i32, i32
  }
  func.func @transform_1(%arg0: i32) -> (i32, i32, i32) {
    %c0_i32 = arith.constant 0 : i32
    %c0_i32_0 = arith.constant 0 : i32
    %c0_i32_1 = arith.constant 0 : i32
    return %arg0, %c0_i32, %c0_i32_0 : i32, i32, i32
  }
  func.func @transform_2(%arg0: i32) -> (i32, i32) {
    %c0_i32 = arith.constant 0 : i32
    %c0_i32_0 = arith.constant 0 : i32
    %c0_i32_1 = arith.constant 0 : i32
    return %c0_i32, %c0_i32_0 : i32, i32
  }
  func.func @transform_3(%arg0: i32) -> (i32, i32) {
    %c0_i32 = arith.constant 0 : i32
    %c0_i32_0 = arith.constant 0 : i32
    %c0_i32_1 = arith.constant 0 : i32
    return %c0_i32, %c0_i32_0 : i32, i32
  }
  func.func @transform_4(%arg0: i32) -> (i32, i32) {
    %c0_i32 = arith.constant 0 : i32
    %c0_i32_0 = arith.constant 0 : i32
    %c0_i32_1 = arith.constant 0 : i32
    return %c0_i32, %c0_i32_0 : i32, i32
  }
  func.func @transform_5(%arg0: i32) -> (i32, i32) {
    %c0_i32 = arith.constant 0 : i32
    %c0_i32_0 = arith.constant 0 : i32
    %c0_i32_1 = arith.constant 0 : i32
    return %c0_i32, %c0_i32_0 : i32, i32
  }
  func.func @transform_6(%arg0: i32) -> i32 {
    %c0_i32 = arith.constant 0 : i32
    return %arg0 : i32
  }
  func.func @transform_7(%arg0: i32) -> i32 {
    %c0_i32 = arith.constant 0 : i32
    return %arg0 : i32
  }
  func.func @transform_8(%arg0: i32) -> (i32, i32, i32) {
    %c0_i32 = arith.constant 0 : i32
    %c0_i32_0 = arith.constant 0 : i32
    %c0_i32_1 = arith.constant 0 : i32
    return %arg0, %c0_i32, %c0_i32_0 : i32, i32, i32
  }
}

module attributes {stable_mosaic.version = 14 : i64} {
  func.func @_tc2_body(%arg0: i32, %arg1: memref<4x1x936x128xf32, #tpu.memory_space<vmem>>, %arg2: memref<1x375x1242xf32, #tpu.memory_space<vmem>>, %arg3: memref<8x1x128xf32, #tpu.memory_space<smem>>, %arg4: memref<1x4xf32, #tpu.memory_space<vmem>>, %arg5: memref<4xf32, #tpu.memory_space<smem>>) attributes {dimension_semantics = [#tpu.dimension_semantics<arbitrary>], iteration_bounds = array<i64: 8>, scalar_prefetch = 0 : i64, scratch_operands = 1 : i64, tpu.core_type = #tpu.core_type<tc>, window_params = [{transform_indices = @transform_0, window_bounds = array<i64: 4, 1, 936, 128>}, {transform_indices = @transform_1, window_bounds = array<i64: 1, 375, 1242>}, {transform_indices = @transform_2, window_bounds = array<i64: 8, 1, 128>}, {pipeline_mode = #tpu.pipeline_mode<synchronous>, transform_indices = @transform_3, window_bounds = array<i64: 1, 4>}]} {
    %broadcast_in_dim3A = arith.constant 0.000000e+00 : f32
    %broadcast_in_dim3A_0 = vector.broadcast %broadcast_in_dim3A : f32 to vector<312xf32>
    %get3A = arith.constant 0 : index
    %get3A_1 = arith.constant 0 : index
    %get3A_2 = arith.constant 0 : index
    %get3A_3 = arith.constant 0 : index
    %get3A_4 = vector.load %arg1[%get3A, %get3A_1, %get3A_2, %get3A_3] : memref<4x1x936x128xf32, #tpu.memory_space<vmem>>, vector<1x1x312x128xf32>
    %get3A_5 = vector.shape_cast %get3A_4 : vector<1x1x312x128xf32> to vector<312x128xf32>
    %transpose3A = tpu.transpose %get3A_5, [1, 0] : vector<312x128xf32> -> vector<128x312xf32>
    %get3A_6 = arith.constant 0 : index
    %get3A_7 = arith.constant 0 : index
    %get3A_8 = arith.constant 0 : index
    %get3A_9 = vector.load %arg2[%get3A_6, %get3A_7, %get3A_8] : memref<1x375x1242xf32, #tpu.memory_space<vmem>>, vector<1x128x312xf32>
    %get3A_10 = vector.shape_cast %get3A_9 : vector<1x128x312xf32> to vector<128x312xf32>
    %sub3A = arith.subf %transpose3A, %get3A_10 : vector<128x312xf32>
    %mul3A = arith.mulf %sub3A, %sub3A : vector<128x312xf32>
    %reduce_sum3A = arith.constant dense<0.000000e+00> : vector<312xf32>
    %reduce_sum3A_11 = vector.multi_reduction <add>, %mul3A, %reduce_sum3A [0] : vector<128x312xf32> to vector<312xf32>
    %add3A = arith.addf %broadcast_in_dim3A_0, %reduce_sum3A_11 : vector<312xf32>
    %get3A_12 = arith.constant 0 : index
    %get3A_13 = arith.constant 0 : index
    %get3A_14 = arith.constant 312 : index
    %get3A_15 = arith.constant 0 : index
    %get3A_16 = vector.load %arg1[%get3A_12, %get3A_13, %get3A_14, %get3A_15] : memref<4x1x936x128xf32, #tpu.memory_space<vmem>>, vector<1x1x312x128xf32>
    %get3A_17 = vector.shape_cast %get3A_16 : vector<1x1x312x128xf32> to vector<312x128xf32>
    %transpose3A_18 = tpu.transpose %get3A_17, [1, 0] : vector<312x128xf32> -> vector<128x312xf32>
    %get3A_19 = arith.constant 0 : index
    %get3A_20 = arith.constant 128 : index
    %get3A_21 = arith.constant 0 : index
    %get3A_22 = vector.load %arg2[%get3A_19, %get3A_20, %get3A_21] : memref<1x375x1242xf32, #tpu.memory_space<vmem>>, vector<1x128x312xf32>
    %get3A_23 = vector.shape_cast %get3A_22 : vector<1x128x312xf32> to vector<128x312xf32>
    %sub3A_24 = arith.subf %transpose3A_18, %get3A_23 : vector<128x312xf32>
    %mul3A_25 = arith.mulf %sub3A_24, %sub3A_24 : vector<128x312xf32>
    %reduce_sum3A_26 = arith.constant dense<0.000000e+00> : vector<312xf32>
    %reduce_sum3A_27 = vector.multi_reduction <add>, %mul3A_25, %reduce_sum3A_26 [0] : vector<128x312xf32> to vector<312xf32>
    %add3A_28 = arith.addf %add3A, %reduce_sum3A_27 : vector<312xf32>
    %get3A_29 = arith.constant 0 : index
    %get3A_30 = arith.constant 0 : index
    %get3A_31 = arith.constant 624 : index
    %get3A_32 = arith.constant 0 : index
    %get3A_33 = vector.load %arg1[%get3A_29, %get3A_30, %get3A_31, %get3A_32] : memref<4x1x936x128xf32, #tpu.memory_space<vmem>>, vector<1x1x312x128xf32>
    %get3A_34 = vector.shape_cast %get3A_33 : vector<1x1x312x128xf32> to vector<312x128xf32>
    %transpose3A_35 = tpu.transpose %get3A_34, [1, 0] : vector<312x128xf32> -> vector<128x312xf32>
    %get3A_36 = arith.constant 0 : index
    %get3A_37 = arith.constant 256 : index
    %get3A_38 = arith.constant 0 : index
    %get3A_39 = vector.load %arg2[%get3A_36, %get3A_37, %get3A_38] : memref<1x375x1242xf32, #tpu.memory_space<vmem>>, vector<1x119x312xf32>
    %get3A_40 = vector.shape_cast %get3A_39 : vector<1x119x312xf32> to vector<119x312xf32>
    %slice3A = vector.extract_strided_slice %transpose3A_35 {offsets = [0, 0], sizes = [119, 312], strides = [1, 1]} : vector<128x312xf32> to vector<119x312xf32>
    %sub3A_41 = arith.subf %slice3A, %get3A_40 : vector<119x312xf32>
    %mul3A_42 = arith.mulf %sub3A_41, %sub3A_41 : vector<119x312xf32>
    %reduce_sum3A_43 = arith.constant dense<0.000000e+00> : vector<312xf32>
    %reduce_sum3A_44 = vector.multi_reduction <add>, %mul3A_42, %reduce_sum3A_43 [0] : vector<119x312xf32> to vector<312xf32>
    %add3A_45 = arith.addf %add3A_28, %reduce_sum3A_44 : vector<312xf32>
    %sqrt3A = math.sqrt %add3A_45 : vector<312xf32>
    %reduce_sum3A_46 = vector.shape_cast %sqrt3A : vector<312xf32> to vector<1x312xf32>
    %reduce_sum3A_47 = arith.constant dense<0.000000e+00> : vector<1xf32>
    %reduce_sum3A_48 = vector.multi_reduction <add>, %reduce_sum3A_46, %reduce_sum3A_47 [1] : vector<1x312xf32> to vector<1xf32>
    %reduce_sum3A_49 = vector.shape_cast %reduce_sum3A_48 : vector<1xf32> to vector<1x1xf32>
    %reduce_sum3A_50 = vector.extract %reduce_sum3A_49[0, 0] : f32 from vector<1x1xf32>
    %add3A_51 = arith.constant 0.000000e+00 : f32
    %add3A_52 = arith.addf %add3A_51, %reduce_sum3A_50 : f32
    %broadcast_in_dim3A_53 = arith.constant 0.000000e+00 : f32
    %broadcast_in_dim3A_54 = vector.broadcast %broadcast_in_dim3A_53 : f32 to vector<312xf32>
    %get3A_55 = arith.constant 1 : index
    %get3A_56 = arith.constant 0 : index
    %get3A_57 = arith.constant 0 : index
    %get3A_58 = arith.constant 0 : index
    %get3A_59 = vector.load %arg1[%get3A_55, %get3A_56, %get3A_57, %get3A_58] : memref<4x1x936x128xf32, #tpu.memory_space<vmem>>, vector<1x1x312x128xf32>
    %get3A_60 = vector.shape_cast %get3A_59 : vector<1x1x312x128xf32> to vector<312x128xf32>
    %transpose3A_61 = tpu.transpose %get3A_60, [1, 0] : vector<312x128xf32> -> vector<128x312xf32>
    %get3A_62 = arith.constant 0 : index
    %get3A_63 = arith.constant 0 : index
    %get3A_64 = arith.constant 312 : index
    %get3A_65 = vector.load %arg2[%get3A_62, %get3A_63, %get3A_64] : memref<1x375x1242xf32, #tpu.memory_space<vmem>>, vector<1x128x312xf32>
    %get3A_66 = vector.shape_cast %get3A_65 : vector<1x128x312xf32> to vector<128x312xf32>
    %sub3A_67 = arith.subf %transpose3A_61, %get3A_66 : vector<128x312xf32>
    %mul3A_68 = arith.mulf %sub3A_67, %sub3A_67 : vector<128x312xf32>
    %reduce_sum3A_69 = arith.constant dense<0.000000e+00> : vector<312xf32>
    %reduce_sum3A_70 = vector.multi_reduction <add>, %mul3A_68, %reduce_sum3A_69 [0] : vector<128x312xf32> to vector<312xf32>
    %add3A_71 = arith.addf %broadcast_in_dim3A_54, %reduce_sum3A_70 : vector<312xf32>
    %get3A_72 = arith.constant 1 : index
    %get3A_73 = arith.constant 0 : index
    %get3A_74 = arith.constant 312 : index
    %get3A_75 = arith.constant 0 : index
    %get3A_76 = vector.load %arg1[%get3A_72, %get3A_73, %get3A_74, %get3A_75] : memref<4x1x936x128xf32, #tpu.memory_space<vmem>>, vector<1x1x312x128xf32>
    %get3A_77 = vector.shape_cast %get3A_76 : vector<1x1x312x128xf32> to vector<312x128xf32>
    %transpose3A_78 = tpu.transpose %get3A_77, [1, 0] : vector<312x128xf32> -> vector<128x312xf32>
    %get3A_79 = arith.constant 0 : index
    %get3A_80 = arith.constant 128 : index
    %get3A_81 = arith.constant 312 : index
    %get3A_82 = vector.load %arg2[%get3A_79, %get3A_80, %get3A_81] : memref<1x375x1242xf32, #tpu.memory_space<vmem>>, vector<1x128x312xf32>
    %get3A_83 = vector.shape_cast %get3A_82 : vector<1x128x312xf32> to vector<128x312xf32>
    %sub3A_84 = arith.subf %transpose3A_78, %get3A_83 : vector<128x312xf32>
    %mul3A_85 = arith.mulf %sub3A_84, %sub3A_84 : vector<128x312xf32>
    %reduce_sum3A_86 = arith.constant dense<0.000000e+00> : vector<312xf32>
    %reduce_sum3A_87 = vector.multi_reduction <add>, %mul3A_85, %reduce_sum3A_86 [0] : vector<128x312xf32> to vector<312xf32>
    %add3A_88 = arith.addf %add3A_71, %reduce_sum3A_87 : vector<312xf32>
    %get3A_89 = arith.constant 1 : index
    %get3A_90 = arith.constant 0 : index
    %get3A_91 = arith.constant 624 : index
    %get3A_92 = arith.constant 0 : index
    %get3A_93 = vector.load %arg1[%get3A_89, %get3A_90, %get3A_91, %get3A_92] : memref<4x1x936x128xf32, #tpu.memory_space<vmem>>, vector<1x1x312x128xf32>
    %get3A_94 = vector.shape_cast %get3A_93 : vector<1x1x312x128xf32> to vector<312x128xf32>
    %transpose3A_95 = tpu.transpose %get3A_94, [1, 0] : vector<312x128xf32> -> vector<128x312xf32>
    %get3A_96 = arith.constant 0 : index
    %get3A_97 = arith.constant 256 : index
    %get3A_98 = arith.constant 312 : index
    %get3A_99 = vector.load %arg2[%get3A_96, %get3A_97, %get3A_98] : memref<1x375x1242xf32, #tpu.memory_space<vmem>>, vector<1x119x312xf32>
    %get3A_100 = vector.shape_cast %get3A_99 : vector<1x119x312xf32> to vector<119x312xf32>
    %slice3A_101 = vector.extract_strided_slice %transpose3A_95 {offsets = [0, 0], sizes = [119, 312], strides = [1, 1]} : vector<128x312xf32> to vector<119x312xf32>
    %sub3A_102 = arith.subf %slice3A_101, %get3A_100 : vector<119x312xf32>
    %mul3A_103 = arith.mulf %sub3A_102, %sub3A_102 : vector<119x312xf32>
    %reduce_sum3A_104 = arith.constant dense<0.000000e+00> : vector<312xf32>
    %reduce_sum3A_105 = vector.multi_reduction <add>, %mul3A_103, %reduce_sum3A_104 [0] : vector<119x312xf32> to vector<312xf32>
    %add3A_106 = arith.addf %add3A_88, %reduce_sum3A_105 : vector<312xf32>
    %sqrt3A_107 = math.sqrt %add3A_106 : vector<312xf32>
    %reduce_sum3A_108 = vector.shape_cast %sqrt3A_107 : vector<312xf32> to vector<1x312xf32>
    %reduce_sum3A_109 = arith.constant dense<0.000000e+00> : vector<1xf32>
    %reduce_sum3A_110 = vector.multi_reduction <add>, %reduce_sum3A_108, %reduce_sum3A_109 [1] : vector<1x312xf32> to vector<1xf32>
    %reduce_sum3A_111 = vector.shape_cast %reduce_sum3A_110 : vector<1xf32> to vector<1x1xf32>
    %reduce_sum3A_112 = vector.extract %reduce_sum3A_111[0, 0] : f32 from vector<1x1xf32>
    %add3A_113 = arith.addf %add3A_52, %reduce_sum3A_112 : f32
    %broadcast_in_dim3A_114 = arith.constant 0.000000e+00 : f32
    %broadcast_in_dim3A_115 = vector.broadcast %broadcast_in_dim3A_114 : f32 to vector<312xf32>
    %get3A_116 = arith.constant 2 : index
    %get3A_117 = arith.constant 0 : index
    %get3A_118 = arith.constant 0 : index
    %get3A_119 = arith.constant 0 : index
    %get3A_120 = vector.load %arg1[%get3A_116, %get3A_117, %get3A_118, %get3A_119] : memref<4x1x936x128xf32, #tpu.memory_space<vmem>>, vector<1x1x312x128xf32>
    %get3A_121 = vector.shape_cast %get3A_120 : vector<1x1x312x128xf32> to vector<312x128xf32>
    %transpose3A_122 = tpu.transpose %get3A_121, [1, 0] : vector<312x128xf32> -> vector<128x312xf32>
    %get3A_123 = arith.constant 0 : index
    %get3A_124 = arith.constant 0 : index
    %get3A_125 = arith.constant 624 : index
    %get3A_126 = vector.load %arg2[%get3A_123, %get3A_124, %get3A_125] : memref<1x375x1242xf32, #tpu.memory_space<vmem>>, vector<1x128x312xf32>
    %get3A_127 = vector.shape_cast %get3A_126 : vector<1x128x312xf32> to vector<128x312xf32>
    %sub3A_128 = arith.subf %transpose3A_122, %get3A_127 : vector<128x312xf32>
    %mul3A_129 = arith.mulf %sub3A_128, %sub3A_128 : vector<128x312xf32>
    %reduce_sum3A_130 = arith.constant dense<0.000000e+00> : vector<312xf32>
    %reduce_sum3A_131 = vector.multi_reduction <add>, %mul3A_129, %reduce_sum3A_130 [0] : vector<128x312xf32> to vector<312xf32>
    %add3A_132 = arith.addf %broadcast_in_dim3A_115, %reduce_sum3A_131 : vector<312xf32>
    %get3A_133 = arith.constant 2 : index
    %get3A_134 = arith.constant 0 : index
    %get3A_135 = arith.constant 312 : index
    %get3A_136 = arith.constant 0 : index
    %get3A_137 = vector.load %arg1[%get3A_133, %get3A_134, %get3A_135, %get3A_136] : memref<4x1x936x128xf32, #tpu.memory_space<vmem>>, vector<1x1x312x128xf32>
    %get3A_138 = vector.shape_cast %get3A_137 : vector<1x1x312x128xf32> to vector<312x128xf32>
    %transpose3A_139 = tpu.transpose %get3A_138, [1, 0] : vector<312x128xf32> -> vector<128x312xf32>
    %get3A_140 = arith.constant 0 : index
    %get3A_141 = arith.constant 128 : index
    %get3A_142 = arith.constant 624 : index
    %get3A_143 = vector.load %arg2[%get3A_140, %get3A_141, %get3A_142] : memref<1x375x1242xf32, #tpu.memory_space<vmem>>, vector<1x128x312xf32>
    %get3A_144 = vector.shape_cast %get3A_143 : vector<1x128x312xf32> to vector<128x312xf32>
    %sub3A_145 = arith.subf %transpose3A_139, %get3A_144 : vector<128x312xf32>
    %mul3A_146 = arith.mulf %sub3A_145, %sub3A_145 : vector<128x312xf32>
    %reduce_sum3A_147 = arith.constant dense<0.000000e+00> : vector<312xf32>
    %reduce_sum3A_148 = vector.multi_reduction <add>, %mul3A_146, %reduce_sum3A_147 [0] : vector<128x312xf32> to vector<312xf32>
    %add3A_149 = arith.addf %add3A_132, %reduce_sum3A_148 : vector<312xf32>
    %get3A_150 = arith.constant 2 : index
    %get3A_151 = arith.constant 0 : index
    %get3A_152 = arith.constant 624 : index
    %get3A_153 = arith.constant 0 : index
    %get3A_154 = vector.load %arg1[%get3A_150, %get3A_151, %get3A_152, %get3A_153] : memref<4x1x936x128xf32, #tpu.memory_space<vmem>>, vector<1x1x312x128xf32>
    %get3A_155 = vector.shape_cast %get3A_154 : vector<1x1x312x128xf32> to vector<312x128xf32>
    %transpose3A_156 = tpu.transpose %get3A_155, [1, 0] : vector<312x128xf32> -> vector<128x312xf32>
    %get3A_157 = arith.constant 0 : index
    %get3A_158 = arith.constant 256 : index
    %get3A_159 = arith.constant 624 : index
    %get3A_160 = vector.load %arg2[%get3A_157, %get3A_158, %get3A_159] : memref<1x375x1242xf32, #tpu.memory_space<vmem>>, vector<1x119x312xf32>
    %get3A_161 = vector.shape_cast %get3A_160 : vector<1x119x312xf32> to vector<119x312xf32>
    %slice3A_162 = vector.extract_strided_slice %transpose3A_156 {offsets = [0, 0], sizes = [119, 312], strides = [1, 1]} : vector<128x312xf32> to vector<119x312xf32>
    %sub3A_163 = arith.subf %slice3A_162, %get3A_161 : vector<119x312xf32>
    %mul3A_164 = arith.mulf %sub3A_163, %sub3A_163 : vector<119x312xf32>
    %reduce_sum3A_165 = arith.constant dense<0.000000e+00> : vector<312xf32>
    %reduce_sum3A_166 = vector.multi_reduction <add>, %mul3A_164, %reduce_sum3A_165 [0] : vector<119x312xf32> to vector<312xf32>
    %add3A_167 = arith.addf %add3A_149, %reduce_sum3A_166 : vector<312xf32>
    %sqrt3A_168 = math.sqrt %add3A_167 : vector<312xf32>
    %reduce_sum3A_169 = vector.shape_cast %sqrt3A_168 : vector<312xf32> to vector<1x312xf32>
    %reduce_sum3A_170 = arith.constant dense<0.000000e+00> : vector<1xf32>
    %reduce_sum3A_171 = vector.multi_reduction <add>, %reduce_sum3A_169, %reduce_sum3A_170 [1] : vector<1x312xf32> to vector<1xf32>
    %reduce_sum3A_172 = vector.shape_cast %reduce_sum3A_171 : vector<1xf32> to vector<1x1xf32>
    %reduce_sum3A_173 = vector.extract %reduce_sum3A_172[0, 0] : f32 from vector<1x1xf32>
    %add3A_174 = arith.addf %add3A_113, %reduce_sum3A_173 : f32
    %broadcast_in_dim3A_175 = arith.constant 0.000000e+00 : f32
    %broadcast_in_dim3A_176 = vector.broadcast %broadcast_in_dim3A_175 : f32 to vector<306xf32>
    %get3A_177 = arith.constant 3 : index
    %get3A_178 = arith.constant 0 : index
    %get3A_179 = arith.constant 0 : index
    %get3A_180 = arith.constant 0 : index
    %get3A_181 = vector.load %arg1[%get3A_177, %get3A_178, %get3A_179, %get3A_180] : memref<4x1x936x128xf32, #tpu.memory_space<vmem>>, vector<1x1x312x128xf32>
    %get3A_182 = vector.shape_cast %get3A_181 : vector<1x1x312x128xf32> to vector<312x128xf32>
    %transpose3A_183 = tpu.transpose %get3A_182, [1, 0] : vector<312x128xf32> -> vector<128x312xf32>
    %get3A_184 = arith.constant 0 : index
    %get3A_185 = arith.constant 0 : index
    %get3A_186 = arith.constant 936 : index
    %get3A_187 = vector.load %arg2[%get3A_184, %get3A_185, %get3A_186] : memref<1x375x1242xf32, #tpu.memory_space<vmem>>, vector<1x128x306xf32>
    %get3A_188 = vector.shape_cast %get3A_187 : vector<1x128x306xf32> to vector<128x306xf32>
    %slice3A_189 = vector.extract_strided_slice %transpose3A_183 {offsets = [0, 0], sizes = [128, 306], strides = [1, 1]} : vector<128x312xf32> to vector<128x306xf32>
    %sub3A_190 = arith.subf %slice3A_189, %get3A_188 : vector<128x306xf32>
    %mul3A_191 = arith.mulf %sub3A_190, %sub3A_190 : vector<128x306xf32>
    %reduce_sum3A_192 = arith.constant dense<0.000000e+00> : vector<306xf32>
    %reduce_sum3A_193 = vector.multi_reduction <add>, %mul3A_191, %reduce_sum3A_192 [0] : vector<128x306xf32> to vector<306xf32>
    %add3A_194 = arith.addf %broadcast_in_dim3A_176, %reduce_sum3A_193 : vector<306xf32>
    %get3A_195 = arith.constant 3 : index
    %get3A_196 = arith.constant 0 : index
    %get3A_197 = arith.constant 312 : index
    %get3A_198 = arith.constant 0 : index
    %get3A_199 = vector.load %arg1[%get3A_195, %get3A_196, %get3A_197, %get3A_198] : memref<4x1x936x128xf32, #tpu.memory_space<vmem>>, vector<1x1x312x128xf32>
    %get3A_200 = vector.shape_cast %get3A_199 : vector<1x1x312x128xf32> to vector<312x128xf32>
    %transpose3A_201 = tpu.transpose %get3A_200, [1, 0] : vector<312x128xf32> -> vector<128x312xf32>
    %get3A_202 = arith.constant 0 : index
    %get3A_203 = arith.constant 128 : index
    %get3A_204 = arith.constant 936 : index
    %get3A_205 = vector.load %arg2[%get3A_202, %get3A_203, %get3A_204] : memref<1x375x1242xf32, #tpu.memory_space<vmem>>, vector<1x128x306xf32>
    %get3A_206 = vector.shape_cast %get3A_205 : vector<1x128x306xf32> to vector<128x306xf32>
    %slice3A_207 = vector.extract_strided_slice %transpose3A_201 {offsets = [0, 0], sizes = [128, 306], strides = [1, 1]} : vector<128x312xf32> to vector<128x306xf32>
    %sub3A_208 = arith.subf %slice3A_207, %get3A_206 : vector<128x306xf32>
    %mul3A_209 = arith.mulf %sub3A_208, %sub3A_208 : vector<128x306xf32>
    %reduce_sum3A_210 = arith.constant dense<0.000000e+00> : vector<306xf32>
    %reduce_sum3A_211 = vector.multi_reduction <add>, %mul3A_209, %reduce_sum3A_210 [0] : vector<128x306xf32> to vector<306xf32>
    %add3A_212 = arith.addf %add3A_194, %reduce_sum3A_211 : vector<306xf32>
    %get3A_213 = arith.constant 3 : index
    %get3A_214 = arith.constant 0 : index
    %get3A_215 = arith.constant 624 : index
    %get3A_216 = arith.constant 0 : index
    %get3A_217 = vector.load %arg1[%get3A_213, %get3A_214, %get3A_215, %get3A_216] : memref<4x1x936x128xf32, #tpu.memory_space<vmem>>, vector<1x1x312x128xf32>
    %get3A_218 = vector.shape_cast %get3A_217 : vector<1x1x312x128xf32> to vector<312x128xf32>
    %transpose3A_219 = tpu.transpose %get3A_218, [1, 0] : vector<312x128xf32> -> vector<128x312xf32>
    %get3A_220 = arith.constant 0 : index
    %get3A_221 = arith.constant 256 : index
    %get3A_222 = arith.constant 936 : index
    %get3A_223 = vector.load %arg2[%get3A_220, %get3A_221, %get3A_222] : memref<1x375x1242xf32, #tpu.memory_space<vmem>>, vector<1x119x306xf32>
    %get3A_224 = vector.shape_cast %get3A_223 : vector<1x119x306xf32> to vector<119x306xf32>
    %slice3A_225 = vector.extract_strided_slice %transpose3A_219 {offsets = [0, 0], sizes = [119, 306], strides = [1, 1]} : vector<128x312xf32> to vector<119x306xf32>
    %sub3A_226 = arith.subf %slice3A_225, %get3A_224 : vector<119x306xf32>
    %mul3A_227 = arith.mulf %sub3A_226, %sub3A_226 : vector<119x306xf32>
    %reduce_sum3A_228 = arith.constant dense<0.000000e+00> : vector<306xf32>
    %reduce_sum3A_229 = vector.multi_reduction <add>, %mul3A_227, %reduce_sum3A_228 [0] : vector<119x306xf32> to vector<306xf32>
    %add3A_230 = arith.addf %add3A_212, %reduce_sum3A_229 : vector<306xf32>
    %sqrt3A_231 = math.sqrt %add3A_230 : vector<306xf32>
    %reduce_sum3A_232 = vector.shape_cast %sqrt3A_231 : vector<306xf32> to vector<1x306xf32>
    %reduce_sum3A_233 = arith.constant dense<0.000000e+00> : vector<1xf32>
    %reduce_sum3A_234 = vector.multi_reduction <add>, %reduce_sum3A_232, %reduce_sum3A_233 [1] : vector<1x306xf32> to vector<1xf32>
    %reduce_sum3A_235 = vector.shape_cast %reduce_sum3A_234 : vector<1xf32> to vector<1x1xf32>
    %reduce_sum3A_236 = vector.extract %reduce_sum3A_235[0, 0] : f32 from vector<1x1xf32>
    %add3A_237 = arith.addf %add3A_174, %reduce_sum3A_236 : f32
    %mul3A_238 = arith.constant 8.051530e-04 : f32
    %mul3A_239 = arith.mulf %add3A_237, %mul3A_238 : f32
    %eq3A = arith.constant 0 : i32
    %eq3A_240 = arith.cmpi eq, %arg0, %eq3A : i32
    %convert_element_type3A = arith.extui %eq3A_240 : i1 to i32
    %cond3A = arith.constant 0 : i32
    %cond3A_241 = arith.cmpi ne, %convert_element_type3A, %cond3A : i32
    scf.if %cond3A_241 {
      %swap3A_269 = arith.constant 0.000000e+00 : f32
      %swap3A_270 = arith.constant 0 : index
      %swap3A_271 = memref.load %arg5[%swap3A_270] : memref<4xf32, #tpu.memory_space<smem>>
      memref.store %swap3A_269, %arg5[%swap3A_270] : memref<4xf32, #tpu.memory_space<smem>>
      %swap3A_272 = arith.constant 0.000000e+00 : f32
      %swap3A_273 = arith.constant 1 : index
      %swap3A_274 = memref.load %arg5[%swap3A_273] : memref<4xf32, #tpu.memory_space<smem>>
      memref.store %swap3A_272, %arg5[%swap3A_273] : memref<4xf32, #tpu.memory_space<smem>>
      %swap3A_275 = arith.constant 0.000000e+00 : f32
      %swap3A_276 = arith.constant 2 : index
      %swap3A_277 = memref.load %arg5[%swap3A_276] : memref<4xf32, #tpu.memory_space<smem>>
      memref.store %swap3A_275, %arg5[%swap3A_276] : memref<4xf32, #tpu.memory_space<smem>>
    } else {
    }
    %get3A_242 = arith.constant 0 : index
    %get3A_243 = memref.load %arg5[%get3A_242] : memref<4xf32, #tpu.memory_space<smem>>
    %get3A_244 = arith.index_cast %arg0 : i32 to index
    %get3A_245 = arith.constant 0 : index
    %get3A_246 = arith.constant 1 : index
    %get3A_247 = memref.load %arg3[%get3A_244, %get3A_245, %get3A_246] : memref<8x1x128xf32, #tpu.memory_space<smem>>
    %add3A_248 = arith.addf %get3A_243, %get3A_247 : f32
    %swap3A = arith.constant 0 : index
    %swap3A_249 = memref.load %arg5[%swap3A] : memref<4xf32, #tpu.memory_space<smem>>
    memref.store %add3A_248, %arg5[%swap3A] : memref<4xf32, #tpu.memory_space<smem>>
    %get3A_250 = arith.constant 1 : index
    %get3A_251 = memref.load %arg5[%get3A_250] : memref<4xf32, #tpu.memory_space<smem>>
    %add3A_252 = arith.addf %get3A_251, %mul3A_239 : f32
    %swap3A_253 = arith.constant 1 : index
    %swap3A_254 = memref.load %arg5[%swap3A_253] : memref<4xf32, #tpu.memory_space<smem>>
    memref.store %add3A_252, %arg5[%swap3A_253] : memref<4xf32, #tpu.memory_space<smem>>
    %get3A_255 = arith.constant 2 : index
    %get3A_256 = memref.load %arg5[%get3A_255] : memref<4xf32, #tpu.memory_space<smem>>
    %get3A_257 = arith.index_cast %arg0 : i32 to index
    %get3A_258 = arith.constant 0 : index
    %get3A_259 = arith.constant 0 : index
    %get3A_260 = memref.load %arg3[%get3A_257, %get3A_258, %get3A_259] : memref<8x1x128xf32, #tpu.memory_space<smem>>
    %add3A_261 = arith.addf %get3A_256, %get3A_260 : f32
    %swap3A_262 = arith.constant 2 : index
    %swap3A_263 = memref.load %arg5[%swap3A_262] : memref<4xf32, #tpu.memory_space<smem>>
    memref.store %add3A_261, %arg5[%swap3A_262] : memref<4xf32, #tpu.memory_space<smem>>
    %eq3A_264 = arith.constant 7 : i32
    %eq3A_265 = arith.cmpi eq, %arg0, %eq3A_264 : i32
    %convert_element_type3A_266 = arith.extui %eq3A_265 : i1 to i32
    %cond3A_267 = arith.constant 0 : i32
    %cond3A_268 = arith.cmpi ne, %convert_element_type3A_266, %cond3A_267 : i32
    scf.if %cond3A_268 {
      %get3A_269 = arith.constant 0 : index
      %get3A_270 = memref.load %arg5[%get3A_269] : memref<4xf32, #tpu.memory_space<smem>>
      %mul3A_271 = arith.constant 1.250000e-01 : f32
      %mul3A_272 = arith.mulf %get3A_270, %mul3A_271 : f32
      %get3A_273 = arith.constant 1 : index
      %get3A_274 = memref.load %arg5[%get3A_273] : memref<4xf32, #tpu.memory_space<smem>>
      %mul3A_275 = arith.constant 1.250000e-01 : f32
      %mul3A_276 = arith.mulf %get3A_274, %mul3A_275 : f32
      %get3A_277 = arith.constant 2 : index
      %get3A_278 = memref.load %arg5[%get3A_277] : memref<4xf32, #tpu.memory_space<smem>>
      %mul3A_279 = arith.constant 1.250000e-01 : f32
      %mul3A_280 = arith.mulf %get3A_278, %mul3A_279 : f32
      %mul3A_281 = arith.constant 5.000000e-01 : f32
      %mul3A_282 = arith.mulf %mul3A_281, %mul3A_272 : f32
      %mul3A_283 = arith.constant 1.000000e+00 : f32
      %mul3A_284 = arith.mulf %mul3A_283, %mul3A_276 : f32
      %add3A_285 = arith.addf %mul3A_282, %mul3A_284 : f32
      %mul3A_286 = arith.constant 5.000000e-01 : f32
      %mul3A_287 = arith.mulf %mul3A_286, %mul3A_280 : f32
      %add3A_288 = arith.addf %add3A_285, %mul3A_287 : f32
      %iota3A = tpu.iota {dimensions = array<i32: 1>} : vector<1x4xi32>
      %eq3A_289 = arith.constant 0 : i32
      %eq3A_290 = vector.broadcast %eq3A_289 : i32 to vector<1x4xi32>
      %eq3A_291 = arith.cmpi eq, %iota3A, %eq3A_290 : vector<1x4xi32>
      %eq3A_292 = arith.constant 1 : i32
      %eq3A_293 = vector.broadcast %eq3A_292 : i32 to vector<1x4xi32>
      %eq3A_294 = arith.cmpi eq, %iota3A, %eq3A_293 : vector<1x4xi32>
      %eq3A_295 = arith.constant 2 : i32
      %eq3A_296 = vector.broadcast %eq3A_295 : i32 to vector<1x4xi32>
      %eq3A_297 = arith.cmpi eq, %iota3A, %eq3A_296 : vector<1x4xi32>
      %broadcast_in_dim3A_298 = vector.broadcast %mul3A_276 : f32 to vector<1x4xf32>
      %broadcast_in_dim3A_299 = vector.broadcast %mul3A_280 : f32 to vector<1x4xf32>
      %select_n3A = arith.select %eq3A_297, %broadcast_in_dim3A_298, %broadcast_in_dim3A_299 : vector<1x4xi1>, vector<1x4xf32>
      %broadcast_in_dim3A_300 = vector.broadcast %mul3A_272 : f32 to vector<1x4xf32>
      %select_n3A_301 = arith.select %eq3A_294, %broadcast_in_dim3A_300, %select_n3A : vector<1x4xi1>, vector<1x4xf32>
      %broadcast_in_dim3A_302 = vector.broadcast %add3A_288 : f32 to vector<1x4xf32>
      %select_n3A_303 = arith.select %eq3A_291, %broadcast_in_dim3A_302, %select_n3A_301 : vector<1x4xi1>, vector<1x4xf32>
      %swap3A_304 = arith.constant 0 : index
      %swap3A_305 = arith.constant 0 : index
      %swap3A_306 = vector.load %arg4[%swap3A_304, %swap3A_305] : memref<1x4xf32, #tpu.memory_space<vmem>>, vector<1x4xf32>
      tpu.vector_store %arg4[%swap3A_304, %swap3A_305], %select_n3A_303 {strides = array<i32>} : memref<1x4xf32, #tpu.memory_space<vmem>>, vector<1x4xf32>,
    } else {
    }
    return
  }
  func.func @transform_0(%arg0: i32) -> (i32, i32, i32, i32) {
    %c0_i32 = arith.constant 0 : i32
    %c0_i32_0 = arith.constant 0 : i32
    %c0_i32_1 = arith.constant 0 : i32
    %c0_i32_2 = arith.constant 0 : i32
    return %c0_i32, %arg0, %c0_i32_0, %c0_i32_1 : i32, i32, i32, i32
  }
  func.func @transform_1(%arg0: i32) -> (i32, i32, i32) {
    %c0_i32 = arith.constant 0 : i32
    %c0_i32_0 = arith.constant 0 : i32
    %c0_i32_1 = arith.constant 0 : i32
    return %arg0, %c0_i32, %c0_i32_0 : i32, i32, i32
  }
  func.func @transform_2(%arg0: i32) -> (i32, i32, i32) {
    %c0_i32 = arith.constant 0 : i32
    %c0_i32_0 = arith.constant 0 : i32
    %c0_i32_1 = arith.constant 0 : i32
    %c0_i32_2 = arith.constant 0 : i32
    return %c0_i32, %c0_i32_0, %c0_i32_1 : i32, i32, i32
  }
  func.func @transform_3(%arg0: i32) -> (i32, i32) {
    %c0_i32 = arith.constant 0 : i32
    %c0_i32_0 = arith.constant 0 : i32
    %c0_i32_1 = arith.constant 0 : i32
    return %c0_i32, %c0_i32_0 : i32, i32
  }
}

</mosaic_0001>

<sc_bundles>
// kernel: kernel.5.cloned.1.call-start
scs
__scs_entry_jumppad:
0x0: {  	(pc) =	sbr.rel $0x88, $3  }
0x1: {  	(tag) =	ssettag $0x0;
	lr =	simm.s32 $0x1  }
0x2: {  	[smem:$0x3F99] =	sst lr;
	_ =	strace $0xD0000000  }
0x3: {  	_ = 	snop  }
0x4: {  	_ = 	snop  }
0x5: {  	_ = 	snop  }
0x6: {  	_ = 	snop  }
0x7: {  	_ = 	snop  }
__scs_overlays_trampoline_lowered:
0x8: {  	[smem:$0x3FA8] =	sst s0  }
0x9: {  	[smem:$0x3FA9] =	sst s1  }
0xa: {  	[smem:$0x3FAA] =	sst s2  }
0xb: {  	[smem:$0x3FAB] =	sst s3  }
0xc: {  	[smem:$0x3FAC] =	sst s4  }
0xd: {  	[smem:$0x3FAD] =	sst s5  }
0xe: {  	[smem:$0x3FAE] =	sst s6  }
0xf: {  	[smem:$0x3FAF] =	sst s7  }
0x10: {  	[smem:$0x3FB0] =	sst s8  }
0x11: {  	[smem:$0x3FB1] =	sst s9;
	s0 =	simm.s32 @!p0 $0x0  }
0x12: {  	s1 =	sld [smem:$0x3F97];
	s0 =	simm.s32 @p0 $0x1  }
0x13: {  	[smem:$0x3FB2] =	sst s0;
	s0 =	simm.s32 @!p1 $0x0  }
0x14: {  	s2 =	sld [smem:$0x3F96];
	s0 =	simm.s32 @p1 $0x1  }
0x15: {  	[smem:$0x3FB3] =	sst s0;
	s0 =	simm.s32 @!p2 $0x0  }
0x16: {  	s3 =	sld [smem:$0x3FDB];
	s0 =	simm.s32 @p2 $0x1  }
0x17: {  	s4 =	simm.s32 $0x1BF5;
	[smem:$0x3FB5] =	sst s0  }
0x18: {  	s0 =	sld [smem:$0x3F98];
	_ =	swait.ge [sflag:s4], $0x0  }
0x19: {  	s7 =	sld [smem:$0x3F99]  }
0x1a: {  	s8 =	sadd.s32 $0xFFFFE003, lr  }
0x1b: {  	s9 =	sadd.s32 $0xFFFFFEF7, lr;
	s5 =	simm.s32 $0xFFFFFFFF;
	p2 =	slt.u32 s8, $0xFFFFF086  }
0x1c: {  	p1 =	slt.u32 s9, $0xF7A;
	s5 =	simm.s32 @!p2 $0x0  }
0x1d: {  	s5 =	simm.s32 @p1 $0x1;
	p0 =	seq.s32 s7, s2  }
0x1e: {  	s7 =	smul.u32 @!p0 $0xF7A, s2;
	p2 =	seq.s32 @!p0 s5, $0x0  }
0x1f: {  	s9 =	smul.u32 $0xF7A, s1;
	s8 =	simm.s32 @!p0 $0x1BF5;
	p2 =	por !p2, p0  }
0x20: {  	[sflag:s8] =	ssyncset.s32 @!p0 $0xFFFFF086;
	s6 =	sadd.s32 @!p0 s3, s7;
	s7 =	simm.s32 @!p0 $0x108  }
0x21: {  	s3 =	sadd.s32 s3, s9;
	s6 =	sadd.s32 @!p0 $0x88, s6;
	s7 =	simm.s32 @p2 $0x1082  }
0x22: {  	[simem:s7], [sflag:s8] =	dma.local @!p0 [hbm:s6], $0xF7A  }
0x23: {  	s9 =	sor.u32 $0xD0000000, s2;
	s6 =	simm.s32 $0x108;
	_ =	swait.ge @!p0 [sflag:s8], $0x0  }
0x24: {  	s3 =	sadd.s32 $0x88, s3;
	s6 =	simm.s32 @!p1 $0x1082;
	[sflag:s4] =	ssyncset.s32 $0xFFFFF086  }
0x25: {  	[simem:s6], [sflag:s4] =	dma.local [hbm:s3], $0xF7A  }
0x26: {  	[smem:$0x3F99] =	sst s1;
	(tag) =	ssettag s2;
	_ =	strace s9  }
0x27: {  	s1 =	sld [smem:$0x3FA9]  }
0x28: {  	s2 =	sld [smem:$0x3FAA]  }
0x29: {  	s4 =	sld [smem:$0x3FAC]  }
0x2a: {  	p0 =	seq.s32 s5, $0x0;
	s5 =	sld [smem:$0x3FAD]  }
0x2b: {  	s6 =	sld [smem:$0x3FAE]  }
0x2c: {  	s7 =	sld [smem:$0x3FAF]  }
0x2d: {  	s3 =	simm.s32 $0x108;
	s8 =	sld [smem:$0x3FB0]  }
0x2e: {  	s3 =	simm.s32 @!p0 $0x1082;
	s9 =	sld [smem:$0x3FB1]  }
0x2f: {  	lr =	sadd.s32 s0, s3;
	s0 =	sld [smem:$0x3FA8]  }
0x30: {  	s3 =	sld [smem:$0x3FAB]  }
0x31: {  	[smem:$0x3FB4] =	sst s10  }
0x32: {  	s10 =	sld [smem:$0x3FB2];
	_ =	sdelay $0x3  }
0x33: {  	p0 =	seq.s32 s10, $0x1;
	s10 =	sld [smem:$0x3FB4];
	_ =	sdelay $0x3  }
0x34: {  	[smem:$0x3FB4] =	sst s10  }
0x35: {  	s10 =	sld [smem:$0x3FB3];
	_ =	sdelay $0x3  }
0x36: {  	p1 =	seq.s32 s10, $0x1;
	s10 =	sld [smem:$0x3FB4];
	_ =	sdelay $0x3  }
0x37: {  	[smem:$0x3FB4] =	sst s10  }
0x38: {  	s10 =	sld [smem:$0x3FB5]  }
0x39: {  	_ = 	snop;
	(pc) =	sbr.ind lr, $3  }
0x3a: {  	_ = 	snop  }
0x3b: {  	_ = 	snop  }
0x3c: {  	p2 =	seq.s32 s10, $0x1;
	s10 =	sld [smem:$0x3FB4]  }
0x3d: {  	_ =	shalt  }
0x3e: {  	_ =	shalt  }
0x3f: {  	_ =	shalt  }
0x40: {  	_ =	shalt  }
0x41: {  	_ =	shalt  }
0x42: {  	_ =	shalt  }
0x43: {  	_ =	shalt  }
0x44: {  	_ =	shalt  }
0x45: {  	_ =	shalt  }
0x46: {  	_ =	shalt  }
0x47: {  	_ =	shalt  }
0x48: {  	_ =	shalt  }
0x49: {  	_ =	shalt  }
0x4a: {  	_ =	shalt  }
0x4b: {  	_ =	shalt  }
0x4c: {  	_ =	shalt  }
0x4d: {  	_ =	shalt  }
0x4e: {  	_ =	shalt  }
0x4f: {  	_ =	shalt  }
0x50: {  	_ =	shalt  }
0x51: {  	_ =	shalt  }
0x52: {  	_ =	shalt  }
0x53: {  	_ =	shalt  }
0x54: {  	_ =	shalt  }
0x55: {  	_ =	shalt  }
0x56: {  	_ =	shalt  }
0x57: {  	_ =	shalt  }
0x58: {  	_ =	shalt  }
0x59: {  	_ =	shalt  }
0x5a: {  	_ =	shalt  }
0x5b: {  	_ =	shalt  }
0x5c: {  	_ =	shalt  }
0x5d: {  	_ =	shalt  }
0x5e: {  	_ =	shalt  }
0x5f: {  	_ =	shalt  }
0x60: {  	_ =	shalt  }
0x61: {  	_ =	shalt  }
0x62: {  	_ =	shalt  }
0x63: {  	_ =	shalt  }
0x64: {  	_ =	shalt  }
0x65: {  	_ =	shalt  }
0x66: {  	_ =	shalt  }
0x67: {  	_ =	shalt  }
0x68: {  	_ =	shalt  }
0x69: {  	_ =	shalt  }
0x6a: {  	_ =	shalt  }
0x6b: {  	_ =	shalt  }
0x6c: {  	_ =	shalt  }
0x6d: {  	_ =	shalt  }
0x6e: {  	_ =	shalt  }
0x6f: {  	_ =	shalt  }
0x70: {  	_ =	shalt  }
0x71: {  	_ =	shalt  }
0x72: {  	_ =	shalt  }
0x73: {  	_ =	shalt  }
0x74: {  	_ =	shalt  }
0x75: {  	_ =	shalt  }
0x76: {  	_ =	shalt  }
0x77: {  	_ =	shalt  }
0x78: {  	_ =	shalt  }
0x79: {  	_ =	shalt  }
0x7a: {  	_ =	shalt  }
0x7b: {  	_ =	shalt  }
0x7c: {  	_ =	shalt  }
0x7d: {  	_ =	shalt  }
0x7e: {  	_ =	shalt  }
0x7f: {  	_ =	shalt  }
0x80: {  	_ =	shalt  }
0x81: {  	_ =	shalt  }
0x82: {  	_ =	shalt  }
0x83: {  	_ =	shalt  }
0x84: {  	_ =	shalt  }
0x85: {  	_ =	shalt  }
0x86: {  	_ =	shalt  }
0x87: {  	_ =	shalt  }
.Lfunc_end0:
.L_simem_size_0:
called_computation_lowered:
.L_overlay_start_0:
0x88: {  	s2 =	sld [smem:$0x3FD9]  }
0x89: {  	s3 =	sld [smem:$0x3FFE];
	_ =	sdelay $0x1  }
0x8a: {  	s1 =	srdreg.scid  }
0x8b: {  	s0 =	sand.u32 $0x1, s1  }
0x8c: {  	s16 =	sshll.u32 s0, $0xA;
	s2 =	sadd.s32 s3, s2  }
0x8d: {  	s2 =	sadd.s32 s2, s16  }
0x8e: {  	[smem:$0x3FC0] =	sst s2  }
0x8f: {  	_ = 	snop  }
0x90: {  	(tm) =	ssettm $0x1  }
0x91: {  	s17 =	sld [smem:$0x3FFB];
	_ =	sdelay $0x3  }
0x92: {  	_ =	strace s17  }
0x93: {  	s2 =	sld [smem:$0x3FFC];
	_ =	sdelay $0x3  }
0x94: {  	_ =	strace s2  }
0x95: {  	s2 =	sld [smem:$0x3FFD];
	_ =	sdelay $0x3  }
0x96: {  	_ =	strace s2  }
0x97: {  	_ =	strace $0x8FFFFFFF  }
0x98: {  	s18 =	sld [smem:$0x3FDB];
	_ =	sdelay $0x1  }
0x99: {  	s19 =	simm.s32 $_scs_section_size  }
0x9a: {  	s4 =	simm.s32 $_size__tile_overlayer_lowered;
	s5 =	simm.s32 $_tile_overlayer_lowered  }
0x9b: {  	s22 =	simm.s32 $0x1BFF;
	s21 =	sshll.u32 s5, $0x1;
	s2 =	sadd.s32 s19, s18  }
0x9c: {  	s6 =	simm.s32 $0x0;
	s20 =	sshll.u32 s4, $0x1;
	s4 =	sadd.s32 s21, s2  }
0x9d: {  	[timem:s6], [sflag:s22] =	dma.local [hbm:s4], s20  }
0x9e: {  	_ =	swait.ge [sflag:s22], s20  }
0x9f: {  	s3 =	ssub.s32 $0x0, s20;
	[sflag:s22] =	ssyncset.done $0x0  }
0xa0: {  	[sflag:s22] =	ssyncadd.s32 s3;
	_ =	sdelay $0x1  }
0xa1: {  	s23 =	simm.s32 $0x1B8B  }
0xa2: {  	_ =	swait.ge [sflag:s23], $0x1  }
0xa3: {  	[sflag:s23] =	ssyncset.done $0x0  }
0xa4: {  	s25 =	simm.s32 $0x1B8E;
	s24 =	sld [smem:$0x3FFE];
	[sflag:s23] =	ssyncadd.s32 $0xFFFFFFFF  }
0xa5: {  	s26 =	simm.s32 $execute0_lowered;
	[smem:$0x3FD2] =	sst s25  }
0xa6: {  	s4 =	sshll.u32 s26, $0x1;
	_ =	strace $0x80000046;
	[dreg:$0x1] =	wrdreg $0xFFFFFFFF  }
0xa7: {  	s28 =	simm.s32 $_size_execute0_lowered;
	s2 =	sadd.s32 s2, s4;
	[dreg:$0x0] =	wrdreg $0x0  }
0xa8: {  	s4 =	sshll.u32 s28, $0x1;
	[dreg:$0x2] =	wrdreg s2  }
0xa9: {  	[dreg:$0x3] =	wrdreg s4  }
0xaa: {  	[dreg:$0x4] =	wrdreg $0xC0  }
0xab: {  	_ =	task [dreg:s6], $0x5FFFF  }
0xac: {  	[dreg:$0x1] =	wrdreg $0xFFFFFFFF  }
0xad: {  	[dreg:$0x0] =	wrdreg $0x60  }
0xae: {  	[dreg:$0x2] =	wrdreg s24  }
0xaf: {  	[dreg:$0x3] =	wrdreg $0x9  }
0xb0: {  	_ =	task.clear_ibuf [dreg:s6], $0x4FFFF;
	_ =	strace $0x90000046  }
0xb1: {  	s29 =	simm.s32 $0x9;
	_ =	strace $0x80000048  }
0xb2: {  	_ =	swait.ge [sflag:s29], $0x1  }
0xb3: {  	[sflag:s29] =	ssyncadd.s32 $0xFFFFFFFF  }
0xb4: {  	_ =	strace $0x90000048  }
0xb5: {  	_ =	sfence  }
0xb6: {  	s30 =	sld [smem:$0x0];
	_ =	sdelay $0x2  }
0xb7: {  	s31 =	sshll.u32 s1, $0xD;
	s1 =	sshrl.u32 s1, $0x2  }
0xb8: {  	s3 =	sand.u32 $0x4000, s31;
	s1 =	sadd.s32 s1, s30  }
0xb9: {  	s0 =	sor.u32 s3, s0;
	s1 =	sshll.u32 s1, $0x11  }
0xba: {  	s0 =	sor.u32 s1, s0  }
0xbb: {  	s0 =	sadd.s32 $0x8F2B, s0  }
0xbc: {  	[sflag:s0] =	ssyncadd.remote.s32 $0x1  }
0xbd: {  	_ =	sfence.sel $0xFFFF  }
0xbe: {  	[dreg:$0x0] =	wrdreg $0xFFFFFFFF;
	(pc) =	sbr.abs _section_cstart, $3  }
0xbf: {  	[dreg:$0x1] =	wrdreg $0xFFFFFFFF  }
0xc0: {  	_ =	task.clear_ibuf [dreg:s6], $0x2FFFF;
	_ =	strace $0x9FFFFFFF  }
0xc1: {  	(tm) =	ssettm $0x7FFFFFFF  }
tec
execute0_lowered:
.L_overlay_start_1:
0x0: {  	(tag) =	ssettag $0x1  }
0x1: {  	s0 =	stileid.u32;
	s1 =	srdreg.scid  }
0x2: {  	s7 =	rddreg [dreg:$0x0];
	s12 =	simm.s32 $0x3;
	s13 =	simm.s32 $0x0  }
0x3: {  	s2 =	sshll.u32 s0, $0x1;
	s3 =	sand.u32 $0x1, s1;
	s4 =	sshrl.u32 s0, $0x1  }
0x4: {  	s1 =	rddreg [dreg:$0x1];
	s30 =	sand.u32 $0x2, s2;
	s2 =	simm.s32 $0x0  }
0x5: {  	s9 =	ssub.s32 $0x2, s3;
	s6 =	sor.u32 s3, s30;
	[smem:$0x7FF] =	sst s2  }
0x6: {  	s3 =	smul.u32 $0x19000, s4;
	s10 =	sshrl.u32 s9, $0x1;
	s5 =	sshll.u32 s6, $0x3  }
0x7: {  	_ =	strace $0x80000047;
	s11 =	smul.u32 $0x138, s6;
	s5 =	sor.u32 s4, s5  }
0x8: {  	s9 =	ssub.s32 s9, s10;
	s10 =	simm.s32 $0x1D400;
	s8 =	smul.u32 $0x3A80, s5  }
0x9: {  	s4 =	sadd.s32 $0x1400, s7;
	s31 =	sshrl.u32 s3, $0x3;
	s9 =	smax.u32 s9, $0x1  }
0xa: {  	s5 =	sadd.s32 $0x1A400, s7;
	s6 =	sadd.s32 s4, s31;
	s8 =	sadd.s32 s8, s7  }
0xb: {  	v1 =	vimm.f32 $0.0e+00;
	v0 =	vmov s11;
	s11 =	simm.s32 $0x1E400;
	s7 =	sadd.s32 s5, s31;
	s8 =	sadd.s32 $0x33400, s8  }
.LBB2_1:
0xc: {  	p0 =	por $0x0, $0x0  }
.Ltmp0:
0xd: {  	_ = 	snop;
	(pc) =	sbr.rel @p0 .LBB2_3-.Ltmp0, $4  }
0xe: {  	_ = 	snop  }
0xf: {  	[tilespmem:s10], [sflag:$0x1] =	stream.linear.gather [hbm4b:s6+s2], $0x800, $0x38;
	[tilespmem:$0x1F400] =	vst v63  }
0x10: {  	s14 =	simm.s32 $0x0;
	s15 =	simm.s32 $0x200  }
0x11: {  	[tilespmem:s11], [sflag:$0x1] =	stream.linear.gather [hbm4b:s7+s2], $0x800, $0x38;
	[tilespmem:$0x1F400] =	vst v63  }
.LBB2_2:
0x12: {  	p0 =	seq.s32 s15, $0x74E00;
	[tilespmem:s14+$0x70] =	vst v1  }
0x13: {  	[tilespmem:s14+$0x0] =	vst v1  }
0x14: {  	[tilespmem:s14+$0x10] =	vst v1  }
.Ltmp1:
0x15: {  	[tilespmem:s14+$0x20] =	vst v1;
	(pc) =	sbr.rel @!p0 .LBB2_2-.Ltmp1, $4  }
0x16: {  	[tilespmem:s14+$0x30] =	vst v1  }
0x17: {  	[tilespmem:s14+$0x40] =	vst v1  }
0x18: {  	[tilespmem:s14+$0x50] =	vst v1  }
0x19: {  	[tilespmem:s14+$0x60] =	vst v1;
	s14 =	sshra.s32 s15, $0x2;
	s15 =	sadd.s32 $0x200, s15  }
.LBB2_3:
0x1a: {  	[tilespmem:s14+$0x70] =	vst v1  }
0x1b: {  	[tilespmem:s14+$0x0] =	vst v1  }
0x1c: {  	[tilespmem:s14+$0x10] =	vst v1  }
0x1d: {  	[tilespmem:s14+$0x20] =	vst v1  }
0x1e: {  	[tilespmem:s14+$0x30] =	vst v1  }
0x1f: {  	[tilespmem:s14+$0x40] =	vst v1  }
0x20: {  	[tilespmem:s14+$0x50] =	vst v1  }
0x21: {  	[tilespmem:s14+$0x60] =	vst v1;
	s14 =	simm.s32 $0x0;
	p0 =	por $0x0, $0x0  }
.LBB2_5:
0x22: {  	s29 =	sand.u32 $0x1, s14  }
0x23: {  	s16 =	sadd.s32 $0x1, s29  }
0x24: {  	_ =	swait.ge [sflag:s16], $0x800  }
0x25: {  	s15 =	smov.u32 s14;
	s17 =	simm.s32 $0x1;
	[sflag:s16] =	ssyncset.done $0x0  }
0x26: {  	s14 =	sadd.s32 $0x1, s15;
	p1 =	seq.s32 s15, $0x31;
	[sflag:s16] =	ssyncadd.s32 $0xFFFFF800  }
0x27: {  	s17 =	simm.s32 @!p0 $0x0;
	s15 =	sshll.u32 @!p1 s14, $0xB;
	_ =	swait.ge [sflag:s16], $0x800  }
0x28: {  	s21 =	simm.s32 @!p1 $0x0;
	s17 =	sshll.u32 s17, $0xB;
	[sflag:s16] =	ssyncset.done $0x0  }
0x29: {  	s15 =	sadd.s32 @!p1 s3, s15;
	[sflag:s16] =	ssyncadd.s32 $0xFFFFF800;
	s16 =	sand.u32 @!p1 $0x1, s14  }
0x2a: {  	s15 =	sshrl.u32 @!p1 s15, $0x3;
	s18 =	sadd.s32 @!p1 $0x1, s16;
	s16 =	sshll.u32 @!p1 s16, $0xB  }
0x2b: {  	s30 =	sor.u32 $0x1D420, s17;
	s20 =	sadd.s32 @!p1 s4, s15;
	s19 =	sor.u32 @!p1 $0x1D400, s16  }
0x2c: {  	v2 =	vmov s30;
	[tilespmem:s19], [sflag:s18] =	stream.linear.gather @!p1 [hbm4b:s20+s21], $0x800, $0x38;
	[tilespmem:$0x1F400] =	vst v63  }
0x2d: {  	s31 =	sor.u32 $0x1E400, s17;
	s15 =	sadd.s32 @!p1 s5, s15;
	s16 =	sor.u32 @!p1 $0x1E400, s16  }
0x2e: {  	[tilespmem:s16], [sflag:s18] =	stream.linear.gather @!p1 [hbm4b:s15+s21], $0x800, $0x38;
	[tilespmem:$0x1F400] =	vst v63  }
0x2f: {  	v3 =	vmov s31;
	s15 =	simm.s32 $0x0  }
.LBB2_6:
0x30: {  	s16 =	sshra.s32 s15, $0x2  }
0x31: {  	v4 =	vld.idx.msk [tilespmem:v2+s16+$0xFFFFFFE0 ss:$0x1], $0xffff;
	_ =	sdelay $0x4  }
0x32: {  	v5 =	vshrl.u32 v4, $0x7  }
0x33: {  	v5 =	vand.u32 $0x3, v5  }
0x34: {  	v6 =	vshrl.u32 v4, $0x9;
	v5 =	vmul.u32 $0x138, v5  }
0x35: {  	v6 =	vsub.s32 v6, v0  }
0x36: {  	v5 =	vadd.s32 v6, v5  }
0x37: {  	v4 =	vand.u32 $0x7F, v4;
	vm0 =	vlt.u32 v6, $0x138;
	v5 =	vshll.u32 v5, $0x7  }
0x38: {  	v57 =	vld.idx.msk [tilespmem:v3+s16+$0x0 ss:$0x1], $0xffff;
	v4 =	vor.u32 v4, v5;
	_ =	sdelay $0x4  }
0x39: {  	[tilespmem:v4+s2+$0x0] =	vst.idx.msk vm0, v57  }
0x3a: {  	v4 =	vld.idx.msk [tilespmem:v2+s16+$0xFFFFFFF0 ss:$0x1], $0xffff;
	_ =	sdelay $0x4  }
0x3b: {  	v5 =	vshrl.u32 v4, $0x7  }
0x3c: {  	v5 =	vand.u32 $0x3, v5  }
0x3d: {  	v58 =	vshrl.u32 v4, $0x9;
	v5 =	vmul.u32 $0x138, v5  }
0x3e: {  	v6 =	vsub.s32 v58, v0  }
0x3f: {  	v5 =	vadd.s32 v6, v5  }
0x40: {  	v4 =	vand.u32 $0x7F, v4;
	vm13 =	vlt.u32 v6, $0x138;
	v5 =	vshll.u32 v5, $0x7  }
0x41: {  	v59 =	vld.idx.msk [tilespmem:v3+s16+$0x10 ss:$0x1], $0xffff;
	v4 =	vor.u32 v4, v5;
	_ =	sdelay $0x4  }
0x42: {  	[tilespmem:v4+s2+$0x0] =	vst.idx.msk vm13, v59  }
0x43: {  	v4 =	vld.idx.msk [tilespmem:v2+s16+$0x0 ss:$0x1], $0xffff;
	_ =	sdelay $0x4  }
0x44: {  	v5 =	vshrl.u32 v4, $0x7  }
0x45: {  	v5 =	vand.u32 $0x3, v5  }
0x46: {  	v60 =	vshrl.u32 v4, $0x9;
	v5 =	vmul.u32 $0x138, v5  }
0x47: {  	v6 =	vsub.s32 v60, v0  }
0x48: {  	v5 =	vadd.s32 v6, v5  }
0x49: {  	v4 =	vand.u32 $0x7F, v4;
	vm14 =	vlt.u32 v6, $0x138;
	v5 =	vshll.u32 v5, $0x7  }
0x4a: {  	v61 =	vld.idx.msk [tilespmem:v3+s16+$0x20 ss:$0x1], $0xffff;
	v4 =	vor.u32 v4, v5;
	_ =	sdelay $0x4  }
0x4b: {  	[tilespmem:v4+s2+$0x0] =	vst.idx.msk vm14, v61  }
0x4c: {  	v4 =	vld.idx.msk [tilespmem:v2+s16+$0x10 ss:$0x1], $0xffff;
	_ =	sdelay $0x4  }
0x4d: {  	v5 =	vshrl.u32 v4, $0x7  }
0x4e: {  	v5 =	vand.u32 $0x3, v5  }
0x4f: {  	v62 =	vshrl.u32 v4, $0x9;
	v5 =	vmul.u32 $0x138, v5  }
0x50: {  	v6 =	vsub.s32 v62, v0  }
0x51: {  	v5 =	vadd.s32 v6, v5  }
0x52: {  	v4 =	vand.u32 $0x7F, v4;
	vm15 =	vlt.u32 v6, $0x138;
	v5 =	vshll.u32 v5, $0x7  }
0x53: {  	p1 =	seq.s32 s15, $0x1F00;
	v63 =	vld.idx.msk [tilespmem:v3+s16+$0x30 ss:$0x1], $0xffff;
	v4 =	vor.u32 v4, v5  }
.Ltmp2:
0x54: {  	_ = 	snop;
	(pc) =	sbr.rel @!p1 .LBB2_6-.Ltmp2, $2  }
0x55: {  	_ =	sdelay $0x2  }
0x56: {  	s15 =	sadd.s32 $0x100, s15;
	[tilespmem:v4+s2+$0x0] =	vst.idx.msk vm15, v63  }
0x57: {  	p1 =	seq.s32 s14, $0x32  }
.Ltmp3:
0x58: {  	_ = 	snop;
	(pc) =	sbr.rel @!p1 .LBB2_5-.Ltmp3, $2  }
0x59: {  	_ =	sdelay $0x2  }
0x5a: {  	p0 =	por !p0, !p0  }
0x5b: {  	s13 =	sadd.s32 $0x1, s13  }
0x5c: {  	p0 =	sne.s32 s13, s9  }
.Ltmp4:
0x5d: {  	_ = 	snop;
	(pc) =	sbr.rel @p0 .LBB2_1-.Ltmp4, $4  }
0x5e: {  	[hbm4b:s8+s2] =	stream.linear.scatter [tilespmem:s2], [sflag:$0x3], $0x1D400, $0x38;
	[tilespmem:$0x1F400] =	vst v63  }
0x5f: {  	_ =	swait.ge [sflag:s12], $0x1D400  }
0x60: {  	[sflag:s12] =	ssyncset.done $0x0  }
0x61: {  	[sflag:s12] =	ssyncadd.s32 $0xFFFE2C00  }
0x62: {  	_ =	sfence.sel $0x180000  }
0x63: {  	[bflag:$0x0] =	sbarrier.arrive $0xFFFF  }
0x64: {  	p0 =	sne.s32 s0, $0x0;
	_ =	strace $0x90000047  }
0x65: {  	s0 =	sadd.s32 @!p0 $0x100000, s1;
	[bflag:$0x2] =	sbarrier.arrive $0xFFFF  }
0x66: {  	[sflag:s0] =	ssyncadd.tile.s32 @!p0 $0x1;
	_ =	shalt  }
.Lfunc_end2:
_tile_overlayer_lowered:
.L_overlay_start_2:
0x67: {  	(tag) =	ssettag $0x2  }
0x68: {  	s0 =	rddreg [dreg:$0x0];
	s2 =	stileid.u32  }
0x69: {  	s1 =	rddreg [dreg:$0x1];
	p0 =	sne.s32 s2, $0x0  }
0x6a: {  	s3 =	rddreg [dreg:$0x2];
	[bflag:$0x3] =	sbarrier.arrive $0xFFFF;
	s2 =	simm.s32 @!p0 $0x1C03  }
0x6b: {  	[timem:s3], [sflag:s2] =	dma.local @!p0 [hbm:s0], s1  }
0x6c: {  	s0 =	simm.s32 @!p0 $0x3  }
0x6d: {  	_ =	swait.ge @!p0 [sflag:s0], s1  }
0x6e: {  	s1 =	ssub.s32 @!p0 $0x0, s1;
	[sflag:s0] =	ssyncset.done @!p0 $0x0  }
0x6f: {  	[sflag:s0] =	ssyncadd.s32 @!p0 s1  }
0x70: {  	[bflag:$0x3] =	sbarrier.arrive $0xFFFF  }
0x71: {  	_ =	shalt  }

</sc_bundles>
